<compile_context>
chip_gen: v7x
topology: tpu7x:2x2x1
jax: 0.10.2.dev20260603
libtpu: 0.0.44.dev20260713+nightly
codegen_flags: <defaults>
</compile_context>

<pallas_src>
import functools

import jax
import jax.numpy as jnp
import numpy as np
from jax.experimental import pallas as pl
from jax.experimental.pallas import tpu as pltpu

_B, _T, _D, _H, _V, _E, _K = 1, 2048, 1024, 16, 32000, 8, 2
_DFF = 4 * _D
_HD = _D // _H

_BM = 256
_NI = (_K * _T) // _BM + _E
_P = _NI * _BM
_NJ = 4
_CH = _DFF // _NJ

_HI = jax.lax.Precision.HIGHEST


def _layernorm(x, w):
    m = x.mean(axis=-1, keepdims=True)
    v = ((x - m) ** 2).mean(axis=-1, keepdims=True)
    return (x - m) / jnp.sqrt(v + 1e-5) * w


def _mm_body(a_ref, b_ref, o_ref, *, cdt, prec):
    a = a_ref[...].astype(cdt)
    b = b_ref[...].astype(cdt)
    o_ref[...] = jax.lax.dot_general(
        a, b, (((1,), (1,)), ((), ())),
        preferred_element_type=jnp.float32, precision=prec)


def _mm_bt(a, b, bn, cdt=jnp.bfloat16, prec=None, bm=None):
    m, kd = a.shape
    n, _ = b.shape
    bm = m if bm is None else bm
    return pl.pallas_call(
        functools.partial(_mm_body, cdt=cdt, prec=prec),
        grid=(m // bm, n // bn),
        in_specs=[
            pl.BlockSpec((bm, kd), lambda i, j: (i, 0)),
            pl.BlockSpec((bn, kd), lambda i, j: (j, 0)),
        ],
        out_specs=pl.BlockSpec((bm, bn), lambda i, j: (i, j)),
        out_shape=jax.ShapeDtypeStruct((m, n), jnp.float32),
    )(a, b)


def _moe_body(be_ref, xs_ref, w1_ref, w2_ref, o_ref, acc_ref):
    j = pl.program_id(0)
    i = pl.program_id(1)
    x = xs_ref[...]
    w1 = w1_ref[0].astype(jnp.bfloat16)
    hid = jax.lax.dot_general(
        x, w1, (((1,), (1,)), ((), ())), preferred_element_type=jnp.float32)
    hid = 0.5 * hid * (1.0 + jax.lax.erf(hid * np.float32(1.0 / np.sqrt(2.0))))
    w2 = w2_ref[0].astype(jnp.bfloat16)
    part = jax.lax.dot_general(
        hid.astype(jnp.bfloat16), w2, (((1,), (1,)), ((), ())),
        preferred_element_type=jnp.float32)
    sl = pl.ds(i * _BM, _BM)

    @pl.when(j == 0)
    def _():
        acc_ref[sl, :] = part

    @pl.when(j != 0)
    def _():
        acc_ref[sl, :] = acc_ref[sl, :] + part

    @pl.when(j == _NJ - 1)
    def _():
        o_ref[...] = acc_ref[sl, :]


def _moe_grouped(block_expert, xs, w1, w2):
    grid_spec = pltpu.PrefetchScalarGridSpec(
        num_scalar_prefetch=1,
        grid=(_NJ, _NI),
        in_specs=[
            pl.BlockSpec((_BM, _D), lambda j, i, be: (i, 0)),
            pl.BlockSpec((1, _CH, _D), lambda j, i, be: (be[i], j, 0)),
            pl.BlockSpec((1, _D, _CH), lambda j, i, be: (be[i], 0, j)),
        ],
        out_specs=pl.BlockSpec((_BM, _D), lambda j, i, be: (i, 0)),
        scratch_shapes=[pltpu.VMEM((_P, _D), jnp.float32)],
    )
    return pl.pallas_call(
        _moe_body,
        grid_spec=grid_spec,
        out_shape=jax.ShapeDtypeStruct((_P, _D), jnp.float32),
        compiler_params=pltpu.CompilerParams(vmem_limit_bytes=56 * 2**20),
    )(block_expert, xs, w1, w2)


def _route(h2, gate_w):
    router_logits = h2 @ gate_w.T
    rw = jax.nn.softmax(router_logits.astype(jnp.float32), axis=-1)
    rw_k, sel = jax.lax.top_k(rw, _K)
    rw_k = rw_k / rw_k.sum(axis=-1, keepdims=True)

    bt = _T * _K
    e_flat = sel.reshape(-1).astype(jnp.int32)
    tok = (jnp.arange(bt, dtype=jnp.int32) // _K)
    counts = jnp.bincount(e_flat, length=_E)
    cap = ((counts + _BM - 1) // _BM) * _BM
    ends = jnp.cumsum(cap)
    base = ends - cap
    gstart = jnp.cumsum(counts) - counts
    order = jnp.argsort(e_flat)
    e_sorted = e_flat[order]
    rank = jnp.arange(bt, dtype=jnp.int32) - gstart[e_sorted]
    pos_sorted = (base[e_sorted] + rank).astype(jnp.int32)
    gidx = jnp.zeros((_P,), jnp.int32).at[pos_sorted].set(tok[order])
    blk_pos = jnp.minimum(jnp.arange(_NI, dtype=jnp.int32) * _BM, ends[-1] - 1)
    block_expert = jnp.searchsorted(ends, blk_pos, side='right').astype(jnp.int32)
    pos_pair = jnp.zeros((bt,), jnp.int32).at[order].set(pos_sorted)
    return rw_k, gidx, block_expert, pos_pair.reshape(_T, _K)


def kernel(idx, wte, wpe, ln1_w, Wqkv, Wproj, ln2_w, gate_W, W1, W2, lnf_w):
    x = wte[idx] + wpe[:_T][None, :, :]
    h = _layernorm(x, ln1_w)
    qkv = h @ Wqkv.T
    q, k, v = jnp.split(qkv, 3, axis=-1)
    q = q.reshape(_B, _T, _H, _HD).transpose(0, 2, 1, 3)
    k = k.reshape(_B, _T, _H, _HD).transpose(0, 2, 1, 3)
    v = v.reshape(_B, _T, _H, _HD).transpose(0, 2, 1, 3)
    att = jnp.einsum('bnth,bnsh->bnts', q, k) * (1.0 / np.sqrt(_HD))
    causal = jnp.tril(jnp.ones((_T, _T), dtype=bool))
    att = jnp.where(causal[None, None, :, :], att, -jnp.inf)
    att = jax.nn.softmax(att, axis=-1)
    y = jnp.einsum('bnts,bnsh->bnth', att, v)
    y = y.transpose(0, 2, 1, 3).reshape(_B, _T, _D)
    y = y @ Wproj.T
    x = x + y

    h2 = _layernorm(x, ln2_w).reshape(-1, _D)
    rw_k, gidx, block_expert, pos_pair = _route(h2, gate_W)
    h2b, gidxb = jax.lax.optimization_barrier((h2, gidx))
    xs = jnp.take(h2b, gidxb, axis=0).astype(jnp.bfloat16)
    eo_pad = _moe_grouped(block_expert, xs, W1, W2)
    eo = jnp.take(eo_pad, pos_pair.reshape(-1), axis=0).reshape(_T, _K, _D)
    moe_out = (eo * rw_k[..., None]).sum(axis=1)
    x = x + moe_out.reshape(_B, _T, _D)

    xf = _layernorm(x, lnf_w).reshape(_T, _D)
    logits = _mm_bt(xf, wte, 640)
    return logits.reshape(_B, _T, _V)

# --- scband reference (transcript-rebuilt; emitter-appended) ---
"""Pipeline reference for scband-mo-egpt-49486613184900 (READ-ONLY COPY).

The authoritative reference and input builder live on the scoring server;
editing this copy changes nothing except your own understanding.
"""

import jax, jax.numpy as jnp
import numpy as np

B, T, D, H, V, E, K = 1, 2048, 1024, 16, 32000, 8, 2
DFF = 4 * D
HD = D // H


def _ln(x, w):
    m = x.mean(axis=-1, keepdims=True)
    v = ((x - m) ** 2).mean(axis=-1, keepdims=True)
    return (x - m) / jnp.sqrt(v + 1e-5) * w


def setup_inputs(seed: int = 0) -> dict:
    key = jax.random.key(seed)
    ks = jax.random.split(key, 10)
    s = 0.02
    idx = jax.random.randint(ks[0], (B, T), 0, V)
    wte = jax.random.normal(ks[1], (V, D), dtype=jnp.float32) * s
    wpe = jax.random.normal(ks[2], (T, D), dtype=jnp.float32) * s
    ln1_w = jnp.ones((D,), dtype=jnp.float32)
    ln2_w = jnp.ones((D,), dtype=jnp.float32)
    lnf_w = jnp.ones((D,), dtype=jnp.float32)
    Wqkv = jax.random.normal(ks[3], (3 * D, D), dtype=jnp.float32) * s
    Wproj = jax.random.normal(ks[4], (D, D), dtype=jnp.float32) * (s / np.sqrt(2.0))
    gate_W = jax.random.normal(ks[5], (E, D), dtype=jnp.float32) * s
    W1 = jax.random.normal(ks[6], (E, DFF, D), dtype=jnp.float32) * s
    W2 = jax.random.normal(ks[7], (E, D, DFF), dtype=jnp.float32) * s
    return {"idx": idx, "wte": wte, "wpe": wpe, "ln1_w": ln1_w, "Wqkv": Wqkv,
            "Wproj": Wproj, "ln2_w": ln2_w, "gate_W": gate_W, "W1": W1,
            "W2": W2, "lnf_w": lnf_w}


def reference(idx, wte, wpe, ln1_w, Wqkv, Wproj, ln2_w, gate_W, W1, W2, lnf_w):
    # embeddings (dropout=0 in eval)
    x = wte[idx] + wpe[:T][None, :, :]
    # --- MoEBlock: attention ---
    h = _ln(x, ln1_w)
    qkv = h @ Wqkv.T
    q, k, v = jnp.split(qkv, 3, axis=-1)
    q = q.reshape(B, T, H, HD).transpose(0, 2, 1, 3)
    k = k.reshape(B, T, H, HD).transpose(0, 2, 1, 3)
    v = v.reshape(B, T, H, HD).transpose(0, 2, 1, 3)
    att = jnp.einsum('bnth,bnsh->bnts', q, k) * (1.0 / np.sqrt(HD))
    causal = jnp.tril(jnp.ones((T, T), dtype=bool))
    att = jnp.where(causal[None, None, :, :], att, -jnp.inf)
    att = jax.nn.softmax(att, axis=-1)
    y = jnp.einsum('bnts,bnsh->bnth', att, v)
    y = y.transpose(0, 2, 1, 3).reshape(B, T, D)
    y = y @ Wproj.T
    x = x + y
    # --- MoEBlock: scatterMoE MLP ---
    h2 = _ln(x, ln2_w).reshape(-1, D)
    router_logits = h2 @ gate_W.T
    rw = jax.nn.softmax(router_logits.astype(jnp.float32), axis=-1)
    rw_k, sel = jax.lax.top_k(rw, K)
    rw_k = rw_k / rw_k.sum(axis=-1, keepdims=True)
    rw_k = rw_k.astype(h2.dtype)
    # dense combine weights (zero for unselected experts) -> mathematically
    # identical to scattermoe's gather/scatter expert execution
    cw = jnp.zeros((B * T, E), dtype=h2.dtype)
    cw = cw.at[jnp.arange(B * T)[:, None], sel].add(rw_k)
    hid = jax.nn.gelu(jnp.einsum('td,efd->tef', h2, W1), approximate=False)
    eo = jnp.einsum('tef,edf->ted', hid, W2)
    moe_out = jnp.einsum('ted,te->td', eo, cw)
    x = x + moe_out.reshape(B, T, D)
    # --- final LN + tied LM head ---
    x = _ln(x, lnf_w)
    logits = x @ wte.T
    return logits

if __name__ == "__main__":
    import jax
    _d = setup_inputs()
    print(jax.jit(kernel)(*tuple(_d.values())))

</pallas_src>

<mosaic_0001>
module {
  func.func @main(%arg0: i32, %arg1: i32, %arg2: i32, %arg3: memref<1x1024x1024xf32, #tpu.memory_space<vmem>>, %arg4: memref<1x1024x64xf32, #tpu.memory_space<vmem>>, %arg5: memref<1x1024x64xf32, #tpu.memory_space<vmem>>, %arg6: memref<1x1024x1xf32, #tpu.memory_space<vmem>>, %arg7: memref<1x1024x1xf32, #tpu.memory_space<vmem>>) attributes {dimension_semantics = [#tpu.dimension_semantics<parallel>, #tpu.dimension_semantics<parallel>, #tpu.dimension_semantics<arbitrary>], iteration_bounds = array<i64: 16, 2, 2>, scratch_operands = 2 : i64, window_params = [{transform_indices = @qk_fn, window_bounds = array<i64: 1, 1024, 1024>}, {transform_indices = @v_fn, window_bounds = array<i64: 1, 1024, 64>}, {transform_indices = @oi_fn, window_bounds = array<i64: 1, 1024, 64>}]} {
    %c0 = arith.constant 0 : index
    %c0_i32 = arith.constant 0 : i32
    %0 = arith.cmpi eq, %c0_i32, %arg2 : i32
    scf.if %0 {
      %cst_3 = arith.constant dense<0.000000e+00> : vector<1x1024x64xf32>
      vector.store %cst_3, %arg5[%c0, %c0, %c0] : memref<1x1024x64xf32, #tpu.memory_space<vmem>>, vector<1x1024x64xf32>
      %cst_4 = arith.constant dense<0xFF800000> : vector<1x1024x1xf32>
      vector.store %cst_4, %arg6[%c0, %c0, %c0] : memref<1x1024x1xf32, #tpu.memory_space<vmem>>, vector<1x1024x1xf32>
      %cst_5 = arith.constant dense<0.000000e+00> : vector<1x1024x1xf32>
      vector.store %cst_5, %arg7[%c0, %c0, %c0] : memref<1x1024x1xf32, #tpu.memory_space<vmem>>, vector<1x1024x1xf32>
    }
    %1 = vector.load %arg3[%c0, %c0, %c0] : memref<1x1024x1024xf32, #tpu.memory_space<vmem>>, vector<1x1024x1024xf32>
    %cst = arith.constant dense<0xFF800000> : vector<1x1024xf32>
    %2 = vector.multi_reduction <maximumf>, %1, %cst [2] : vector<1x1024x1024xf32> to vector<1x1024xf32>
    %3 = vector.shape_cast %2 : vector<1x1024xf32> to vector<1x1024x1xf32>
    %4 = vector.load %arg6[%c0, %c0, %c0] : memref<1x1024x1xf32, #tpu.memory_space<vmem>>, vector<1x1024x1xf32>
    %5 = arith.maximumf %4, %3 : vector<1x1024x1xf32>
    %cst_0 = arith.constant dense<0.000000e+00> : vector<1x1024x1xf32>
    %6 = arith.cmpf oeq, %4, %5 : vector<1x1024x1xf32>
    %7 = arith.subf %4, %5 : vector<1x1024x1xf32>
    %8 = arith.select %6, %cst_0, %7 : vector<1x1024x1xi1>, vector<1x1024x1xf32>
    %9 = vector.broadcast %5 : vector<1x1024x1xf32> to vector<1x1024x1024xf32>
    %10 = arith.subf %1, %9 : vector<1x1024x1024xf32>
    %11 = math.exp %10 : vector<1x1024x1024xf32>
    %cst_1 = arith.constant dense<0.000000e+00> : vector<1x1024xf32>
    %12 = vector.multi_reduction <add>, %11, %cst_1 [2] : vector<1x1024x1024xf32> to vector<1x1024xf32>
    %13 = vector.shape_cast %12 : vector<1x1024xf32> to vector<1x1024x1xf32>
    %14 = vector.load %arg7[%c0, %c0, %c0] : memref<1x1024x1xf32, #tpu.memory_space<vmem>>, vector<1x1024x1xf32>
    %15 = math.exp %8 : vector<1x1024x1xf32>
    %16 = arith.mulf %15, %14 : vector<1x1024x1xf32>
    %17 = arith.addf %16, %13 : vector<1x1024x1xf32>
    %18 = vector.load %arg5[%c0, %c0, %c0] : memref<1x1024x64xf32, #tpu.memory_space<vmem>>, vector<1x1024x64xf32>
    %19 = math.exp %8 : vector<1x1024x1xf32>
    %20 = arith.mulf %19, %14 : vector<1x1024x1xf32>
    %21 = vector.broadcast %20 : vector<1x1024x1xf32> to vector<1x1024x64xf32>
    %22 = arith.mulf %21, %18 : vector<1x1024x64xf32>
    %23 = vector.load %arg4[%c0, %c0, %c0] : memref<1x1024x64xf32, #tpu.memory_space<vmem>>, vector<1x1024x64xf32>
    %24 = vector.shape_cast %23 : vector<1x1024x64xf32> to vector<1024x64xf32>
    %25 = vector.shape_cast %11 : vector<1x1024x1024xf32> to vector<1024x1024xf32>
    %26 = vector.shape_cast %22 : vector<1x1024x64xf32> to vector<1024x64xf32>
    %27 = tpu.matmul %25, %24, %26 {dimension_numbers = #tpu.dot_dimension_numbers<[1], [0], [0], [1], [0, 0, 1, 1], [], []>, precision = #tpu.contract_precision<bf16>, transpose_lhs_hint = false} : vector<1024x1024xf32>, vector<1024x64xf32>, vector<1024x64xf32> -> vector<1024x64xf32>
    %28 = vector.shape_cast %27 : vector<1024x64xf32> to vector<1x1024x64xf32>
    %cst_2 = arith.constant dense<1.000000e+00> : vector<1x1024x1xf32>
    %29 = arith.divf %cst_2, %17 : vector<1x1024x1xf32>
    %30 = vector.broadcast %29 : vector<1x1024x1xf32> to vector<1x1024x64xf32>
    %31 = arith.mulf %28, %30 : vector<1x1024x64xf32>
    %32 = vector.shape_cast %31 : vector<1x1024x64xf32> to vector<1x1024x64xf32>
    vector.store %32, %arg5[%c0, %c0, %c0] : memref<1x1024x64xf32, #tpu.memory_space<vmem>>, vector<1x1024x64xf32>
    vector.store %5, %arg6[%c0, %c0, %c0] : memref<1x1024x1xf32, #tpu.memory_space<vmem>>, vector<1x1024x1xf32>
    vector.store %17, %arg7[%c0, %c0, %c0] : memref<1x1024x1xf32, #tpu.memory_space<vmem>>, vector<1x1024x1xf32>
    return
  }
  func.func @qk_fn(%arg0: i32, %arg1: i32, %arg2: i32) -> (i32, i32, i32) {
    return %arg0, %arg1, %arg2 : i32, i32, i32
  }
  func.func @v_fn(%arg0: i32, %arg1: i32, %arg2: i32) -> (i32, i32, i32) {
    %c0_i32 = arith.constant 0 : i32
    return %arg0, %arg2, %c0_i32 : i32, i32, i32
  }
  func.func @oi_fn(%arg0: i32, %arg1: i32, %arg2: i32) -> (i32, i32, i32) {
    %c0_i32 = arith.constant 0 : i32
    return %arg0, %arg1, %c0_i32 : i32, i32, i32
  }
}

module attributes {stable_mosaic.version = 14 : i64} {
  func.func @_moe_body(%arg0: i32, %arg1: i32, %arg2: memref<24xi32, #tpu.memory_space<smem>>, %arg3: memref<256x1024xbf16, #tpu.memory_space<vmem>>, %arg4: memref<1x1024x1024xf32, #tpu.memory_space<vmem>>, %arg5: memref<1x1024x1024xf32, #tpu.memory_space<vmem>>, %arg6: memref<256x1024xf32, #tpu.memory_space<vmem>>, %arg7: memref<6144x1024xf32, #tpu.memory_space<vmem>>) attributes {dimension_semantics = [#tpu.dimension_semantics<arbitrary>, #tpu.dimension_semantics<arbitrary>], iteration_bounds = array<i64: 4, 24>, scalar_prefetch = 1 : i64, scratch_operands = 1 : i64, tpu.core_type = #tpu.core_type<tc>, window_params = [{transform_indices = @transform_0, window_bounds = array<i64: 256, 1024>}, {transform_indices = @transform_1, window_bounds = array<i64: 1, 1024, 1024>}, {transform_indices = @transform_2, window_bounds = array<i64: 1, 1024, 1024>}, {transform_indices = @transform_3, window_bounds = array<i64: 256, 1024>}]} {
    %get3A = arith.constant 0 : index
    %get3A_0 = arith.constant 0 : index
    %get3A_1 = vector.load %arg3[%get3A, %get3A_0] : memref<256x1024xbf16, #tpu.memory_space<vmem>>, vector<256x1024xbf16>
    %get3A_2 = arith.constant 0 : index
    %get3A_3 = arith.constant 0 : index
    %get3A_4 = arith.constant 0 : index
    %get3A_5 = vector.load %arg4[%get3A_2, %get3A_3, %get3A_4] : memref<1x1024x1024xf32, #tpu.memory_space<vmem>>, vector<1x1024x1024xf32>
    %get3A_6 = vector.shape_cast %get3A_5 : vector<1x1024x1024xf32> to vector<1024x1024xf32>
    %convert_element_type3A = arith.truncf %get3A_6 : vector<1024x1024xf32> to vector<1024x1024xbf16>
    %dot_general3A = arith.constant dense<0.000000e+00> : vector<256x1024xf32>
    %dot_general3A_7 = tpu.matmul %get3A_1, %convert_element_type3A, %dot_general3A {dimension_numbers = #tpu.dot_dimension_numbers<[1], [1], [0], [0], [0, 0, 1, 0], [], []>, transpose_lhs_hint = false} : vector<256x1024xbf16>, vector<1024x1024xbf16>, vector<256x1024xf32> -> vector<256x1024xf32>
    %mul3A = arith.constant 5.000000e-01 : f32
    %mul3A_8 = vector.broadcast %mul3A : f32 to vector<256x1024xf32>
    %mul3A_9 = arith.mulf %mul3A_8, %dot_general3A_7 : vector<256x1024xf32>
    %mul3A_10 = arith.constant 0.707106769 : f32
    %mul3A_11 = vector.broadcast %mul3A_10 : f32 to vector<256x1024xf32>
    %mul3A_12 = arith.mulf %dot_general3A_7, %mul3A_11 : vector<256x1024xf32>
    %erf3A = math.erf %mul3A_12 : vector<256x1024xf32>
    %add3A = arith.constant 1.000000e+00 : f32
    %add3A_13 = vector.broadcast %add3A : f32 to vector<256x1024xf32>
    %add3A_14 = arith.addf %add3A_13, %erf3A : vector<256x1024xf32>
    %mul3A_15 = arith.mulf %mul3A_9, %add3A_14 : vector<256x1024xf32>
    %get3A_16 = arith.constant 0 : index
    %get3A_17 = arith.constant 0 : index
    %get3A_18 = arith.constant 0 : index
    %get3A_19 = vector.load %arg5[%get3A_16, %get3A_17, %get3A_18] : memref<1x1024x1024xf32, #tpu.memory_space<vmem>>, vector<1x1024x1024xf32>
    %get3A_20 = vector.shape_cast %get3A_19 : vector<1x1024x1024xf32> to vector<1024x1024xf32>
    %convert_element_type3A_21 = arith.truncf %get3A_20 : vector<1024x1024xf32> to vector<1024x1024xbf16>
    %convert_element_type3A_22 = arith.truncf %mul3A_15 : vector<256x1024xf32> to vector<256x1024xbf16>
    %dot_general3A_23 = arith.constant dense<0.000000e+00> : vector<256x1024xf32>
    %dot_general3A_24 = tpu.matmul %convert_element_type3A_22, %convert_element_type3A_21, %dot_general3A_23 {dimension_numbers = #tpu.dot_dimension_numbers<[1], [1], [0], [0], [0, 0, 1, 0], [], []>, transpose_lhs_hint = false} : vector<256x1024xbf16>, vector<1024x1024xbf16>, vector<256x1024xf32> -> vector<256x1024xf32>
    %mul3A_25 = arith.constant 256 : i32
    %mul3A_26 = arith.muli %arg1, %mul3A_25 : i32
    %eq3A = arith.constant 0 : i32
    %eq3A_27 = arith.cmpi eq, %arg0, %eq3A : i32
    %convert_element_type3A_28 = arith.extui %eq3A_27 : i1 to i32
    %cond3A = arith.constant 0 : i32
    %cond3A_29 = arith.cmpi ne, %convert_element_type3A_28, %cond3A : i32
    scf.if %cond3A_29 {
      %swap3A = arith.index_cast %mul3A_26 : i32 to index
      %swap3A_39 = arith.constant 0 : index
      %swap3A_40 = vector.load %arg7[%swap3A, %swap3A_39] : memref<6144x1024xf32, #tpu.memory_space<vmem>>, vector<256x1024xf32>
      tpu.vector_store %arg7[%swap3A, %swap3A_39], %dot_general3A_24 {strides = array<i32>} : memref<6144x1024xf32, #tpu.memory_space<vmem>>, vector<256x1024xf32>,
    } else {
    }
    %ne3A = arith.constant 0 : i32
    %ne3A_30 = arith.cmpi ne, %arg0, %ne3A : i32
    %convert_element_type3A_31 = arith.extui %ne3A_30 : i1 to i32
    %cond3A_32 = arith.constant 0 : i32
    %cond3A_33 = arith.cmpi ne, %convert_element_type3A_31, %cond3A_32 : i32
    scf.if %cond3A_33 {
      %get3A_39 = arith.index_cast %mul3A_26 : i32 to index
      %get3A_40 = arith.constant 0 : index
      %get3A_41 = vector.load %arg7[%get3A_39, %get3A_40] : memref<6144x1024xf32, #tpu.memory_space<vmem>>, vector<256x1024xf32>
      %add3A_42 = arith.addf %get3A_41, %dot_general3A_24 : vector<256x1024xf32>
      %swap3A = arith.index_cast %mul3A_26 : i32 to index
      %swap3A_43 = arith.constant 0 : index
      %swap3A_44 = vector.load %arg7[%swap3A, %swap3A_43] : memref<6144x1024xf32, #tpu.memory_space<vmem>>, vector<256x1024xf32>
      tpu.vector_store %arg7[%swap3A, %swap3A_43], %add3A_42 {strides = array<i32>} : memref<6144x1024xf32, #tpu.memory_space<vmem>>, vector<256x1024xf32>,
    } else {
    }
    %eq3A_34 = arith.constant 3 : i32
    %eq3A_35 = arith.cmpi eq, %arg0, %eq3A_34 : i32
    %convert_element_type3A_36 = arith.extui %eq3A_35 : i1 to i32
    %cond3A_37 = arith.constant 0 : i32
    %cond3A_38 = arith.cmpi ne, %convert_element_type3A_36, %cond3A_37 : i32
    scf.if %cond3A_38 {
      %get3A_39 = arith.index_cast %mul3A_26 : i32 to index
      %get3A_40 = arith.constant 0 : index
      %get3A_41 = vector.load %arg7[%get3A_39, %get3A_40] : memref<6144x1024xf32, #tpu.memory_space<vmem>>, vector<256x1024xf32>
      %swap3A = arith.constant 0 : index
      %swap3A_42 = arith.constant 0 : index
      %swap3A_43 = vector.load %arg6[%swap3A, %swap3A_42] : memref<256x1024xf32, #tpu.memory_space<vmem>>, vector<256x1024xf32>
      tpu.vector_store %arg6[%swap3A, %swap3A_42], %get3A_41 {strides = array<i32>} : memref<256x1024xf32, #tpu.memory_space<vmem>>, vector<256x1024xf32>,
    } else {
    }
    return
  }
  func.func @transform_0(%arg0: i32, %arg1: i32, %arg2: memref<24xi32, #tpu.memory_space<smem>>) -> (i32, i32) {
    %c0_i32 = arith.constant 0 : i32
    %c0_i32_0 = arith.constant 0 : i32
    return %arg1, %c0_i32 : i32, i32
  }
  func.func @transform_1(%arg0: i32, %arg1: i32, %arg2: memref<24xi32, #tpu.memory_space<smem>>) -> (i32, i32, i32) {
    %get3A = arith.index_cast %arg1 : i32 to index
    %get3A_0 = memref.load %arg2[%get3A] : memref<24xi32, #tpu.memory_space<smem>>
    %c0_i32 = arith.constant 0 : i32
    %c0_i32_1 = arith.constant 0 : i32
    return %get3A_0, %arg0, %c0_i32 : i32, i32, i32
  }
  func.func @transform_2(%arg0: i32, %arg1: i32, %arg2: memref<24xi32, #tpu.memory_space<smem>>) -> (i32, i32, i32) {
    %get3A = arith.index_cast %arg1 : i32 to index
    %get3A_0 = memref.load %arg2[%get3A] : memref<24xi32, #tpu.memory_space<smem>>
    %c0_i32 = arith.constant 0 : i32
    %c0_i32_1 = arith.constant 0 : i32
    return %get3A_0, %c0_i32, %arg0 : i32, i32, i32
  }
  func.func @transform_3(%arg0: i32, %arg1: i32, %arg2: memref<24xi32, #tpu.memory_space<smem>>) -> (i32, i32) {
    %c0_i32 = arith.constant 0 : i32
    %c0_i32_0 = arith.constant 0 : i32
    return %arg1, %c0_i32 : i32, i32
  }
}

module attributes {stable_mosaic.version = 14 : i64} {
  func.func @_mm_body(%arg0: i32, %arg1: i32, %arg2: memref<2048x1024xf32, #tpu.memory_space<vmem>>, %arg3: memref<640x1024xf32, #tpu.memory_space<vmem>>, %arg4: memref<2048x640xf32, #tpu.memory_space<vmem>>) attributes {dimension_semantics = [#tpu.dimension_semantics<arbitrary>, #tpu.dimension_semantics<arbitrary>], iteration_bounds = array<i64: 1, 50>, scalar_prefetch = 0 : i64, scratch_operands = 0 : i64, tpu.core_type = #tpu.core_type<tc>, window_params = [{transform_indices = @transform_0, window_bounds = array<i64: 2048, 1024>}, {transform_indices = @transform_1, window_bounds = array<i64: 640, 1024>}, {transform_indices = @transform_2, window_bounds = array<i64: 2048, 640>}]} {
    %get3A = arith.constant 0 : index
    %get3A_0 = arith.constant 0 : index
    %get3A_1 = vector.load %arg2[%get3A, %get3A_0] : memref<2048x1024xf32, #tpu.memory_space<vmem>>, vector<2048x1024xf32>
    %convert_element_type3A = arith.truncf %get3A_1 : vector<2048x1024xf32> to vector<2048x1024xbf16>
    %get3A_2 = arith.constant 0 : index
    %get3A_3 = arith.constant 0 : index
    %get3A_4 = vector.load %arg3[%get3A_2, %get3A_3] : memref<640x1024xf32, #tpu.memory_space<vmem>>, vector<640x1024xf32>
    %convert_element_type3A_5 = arith.truncf %get3A_4 : vector<640x1024xf32> to vector<640x1024xbf16>
    %dot_general3A = arith.constant dense<0.000000e+00> : vector<2048x640xf32>
    %dot_general3A_6 = tpu.matmul %convert_element_type3A, %convert_element_type3A_5, %dot_general3A {dimension_numbers = #tpu.dot_dimension_numbers<[1], [1], [0], [0], [0, 0, 1, 0], [], []>, transpose_lhs_hint = false} : vector<2048x1024xbf16>, vector<640x1024xbf16>, vector<2048x640xf32> -> vector<2048x640xf32>
    %swap3A = arith.constant 0 : index
    %swap3A_7 = arith.constant 0 : index
    %swap3A_8 = vector.load %arg4[%swap3A, %swap3A_7] : memref<2048x640xf32, #tpu.memory_space<vmem>>, vector<2048x640xf32>
    tpu.vector_store %arg4[%swap3A, %swap3A_7], %dot_general3A_6 {strides = array<i32>} : memref<2048x640xf32, #tpu.memory_space<vmem>>, vector<2048x640xf32>,
    return
  }
  func.func @transform_0(%arg0: i32, %arg1: i32) -> (i32, i32) {
    %c0_i32 = arith.constant 0 : i32
    %c0_i32_0 = arith.constant 0 : i32
    return %arg0, %c0_i32 : i32, i32
  }
  func.func @transform_1(%arg0: i32, %arg1: i32) -> (i32, i32) {
    %c0_i32 = arith.constant 0 : i32
    %c0_i32_0 = arith.constant 0 : i32
    return %arg1, %c0_i32 : i32, i32
  }
  func.func @transform_2(%arg0: i32, %arg1: i32) -> (i32, i32) {
    %c0_i32 = arith.constant 0 : i32
    return %arg0, %arg1 : i32, i32
  }
}

</mosaic_0001>

<sc_bundles>
// kernel: gather_offload_async_start.1
scs
__scs_entry_jumppad:
0x0: {  	(pc) =	sbr.rel $0x88, $3  }
0x1: {  	(tag) =	ssettag $0x0;
	lr =	simm.s32 $0x1  }
0x2: {  	[smem:$0x3F96] =	sst lr;
	_ =	strace $0xD0000000  }
0x3: {  	_ = 	snop  }
0x4: {  	_ = 	snop  }
0x5: {  	_ = 	snop  }
0x6: {  	_ = 	snop  }
0x7: {  	_ = 	snop  }
__scs_overlays_trampoline_lowered:
0x8: {  	[smem:$0x3FA5] =	sst s0  }
0x9: {  	[smem:$0x3FA6] =	sst s1  }
0xa: {  	[smem:$0x3FA7] =	sst s2  }
0xb: {  	[smem:$0x3FA8] =	sst s3  }
0xc: {  	[smem:$0x3FA9] =	sst s4  }
0xd: {  	[smem:$0x3FAA] =	sst s5  }
0xe: {  	[smem:$0x3FAB] =	sst s6  }
0xf: {  	[smem:$0x3FAC] =	sst s7  }
0x10: {  	[smem:$0x3FAD] =	sst s8  }
0x11: {  	[smem:$0x3FAE] =	sst s9;
	s0 =	simm.s32 @!p0 $0x0  }
0x12: {  	s1 =	sld [smem:$0x3F94];
	s0 =	simm.s32 @p0 $0x1  }
0x13: {  	[smem:$0x3FAF] =	sst s0;
	s0 =	simm.s32 @!p1 $0x0  }
0x14: {  	s2 =	sld [smem:$0x3F93];
	s0 =	simm.s32 @p1 $0x1  }
0x15: {  	[smem:$0x3FB0] =	sst s0;
	s0 =	simm.s32 @!p2 $0x0  }
0x16: {  	s3 =	sld [smem:$0x3FDB];
	s0 =	simm.s32 @p2 $0x1  }
0x17: {  	s4 =	simm.s32 $0x1BF5;
	[smem:$0x3FB2] =	sst s0  }
0x18: {  	s0 =	sld [smem:$0x3F95];
	_ =	swait.ge [sflag:s4], $0x0  }
0x19: {  	s7 =	sld [smem:$0x3F96]  }
0x1a: {  	s8 =	sadd.s32 $0xFFFFE003, lr  }
0x1b: {  	s9 =	sadd.s32 $0xFFFFFEF7, lr;
	s5 =	simm.s32 $0xFFFFFFFF;
	p2 =	slt.u32 s8, $0xFFFFF086  }
0x1c: {  	p1 =	slt.u32 s9, $0xF7A;
	s5 =	simm.s32 @!p2 $0x0  }
0x1d: {  	s5 =	simm.s32 @p1 $0x1;
	p0 =	seq.s32 s7, s2  }
0x1e: {  	s7 =	smul.u32 @!p0 $0xF7A, s2;
	p2 =	seq.s32 @!p0 s5, $0x0  }
0x1f: {  	s9 =	smul.u32 $0xF7A, s1;
	s8 =	simm.s32 @!p0 $0x1BF5;
	p2 =	por !p2, p0  }
0x20: {  	[sflag:s8] =	ssyncset.s32 @!p0 $0xFFFFF086;
	s6 =	sadd.s32 @!p0 s3, s7;
	s7 =	simm.s32 @!p0 $0x108  }
0x21: {  	s3 =	sadd.s32 s3, s9;
	s6 =	sadd.s32 @!p0 $0x88, s6;
	s7 =	simm.s32 @p2 $0x1082  }
0x22: {  	[simem:s7], [sflag:s8] =	dma.local @!p0 [hbm:s6], $0xF7A  }
0x23: {  	s9 =	sor.u32 $0xD0000000, s2;
	s6 =	simm.s32 $0x108;
	_ =	swait.ge @!p0 [sflag:s8], $0x0  }
0x24: {  	s3 =	sadd.s32 $0x88, s3;
	s6 =	simm.s32 @!p1 $0x1082;
	[sflag:s4] =	ssyncset.s32 $0xFFFFF086  }
0x25: {  	[simem:s6], [sflag:s4] =	dma.local [hbm:s3], $0xF7A  }
0x26: {  	[smem:$0x3F96] =	sst s1;
	(tag) =	ssettag s2;
	_ =	strace s9  }
0x27: {  	s1 =	sld [smem:$0x3FA6]  }
0x28: {  	s2 =	sld [smem:$0x3FA7]  }
0x29: {  	s4 =	sld [smem:$0x3FA9]  }
0x2a: {  	p0 =	seq.s32 s5, $0x0;
	s5 =	sld [smem:$0x3FAA]  }
0x2b: {  	s6 =	sld [smem:$0x3FAB]  }
0x2c: {  	s7 =	sld [smem:$0x3FAC]  }
0x2d: {  	s3 =	simm.s32 $0x108;
	s8 =	sld [smem:$0x3FAD]  }
0x2e: {  	s3 =	simm.s32 @!p0 $0x1082;
	s9 =	sld [smem:$0x3FAE]  }
0x2f: {  	lr =	sadd.s32 s0, s3;
	s0 =	sld [smem:$0x3FA5]  }
0x30: {  	s3 =	sld [smem:$0x3FA8]  }
0x31: {  	[smem:$0x3FB1] =	sst s10  }
0x32: {  	s10 =	sld [smem:$0x3FAF];
	_ =	sdelay $0x3  }
0x33: {  	p0 =	seq.s32 s10, $0x1;
	s10 =	sld [smem:$0x3FB1];
	_ =	sdelay $0x3  }
0x34: {  	[smem:$0x3FB1] =	sst s10  }
0x35: {  	s10 =	sld [smem:$0x3FB0];
	_ =	sdelay $0x3  }
0x36: {  	p1 =	seq.s32 s10, $0x1;
	s10 =	sld [smem:$0x3FB1];
	_ =	sdelay $0x3  }
0x37: {  	[smem:$0x3FB1] =	sst s10  }
0x38: {  	s10 =	sld [smem:$0x3FB2]  }
0x39: {  	_ = 	snop;
	(pc) =	sbr.ind lr, $3  }
0x3a: {  	_ = 	snop  }
0x3b: {  	_ = 	snop  }
0x3c: {  	p2 =	seq.s32 s10, $0x1;
	s10 =	sld [smem:$0x3FB1]  }
0x3d: {  	_ =	shalt  }
0x3e: {  	_ =	shalt  }
0x3f: {  	_ =	shalt  }
0x40: {  	_ =	shalt  }
0x41: {  	_ =	shalt  }
0x42: {  	_ =	shalt  }
0x43: {  	_ =	shalt  }
0x44: {  	_ =	shalt  }
0x45: {  	_ =	shalt  }
0x46: {  	_ =	shalt  }
0x47: {  	_ =	shalt  }
0x48: {  	_ =	shalt  }
0x49: {  	_ =	shalt  }
0x4a: {  	_ =	shalt  }
0x4b: {  	_ =	shalt  }
0x4c: {  	_ =	shalt  }
0x4d: {  	_ =	shalt  }
0x4e: {  	_ =	shalt  }
0x4f: {  	_ =	shalt  }
0x50: {  	_ =	shalt  }
0x51: {  	_ =	shalt  }
0x52: {  	_ =	shalt  }
0x53: {  	_ =	shalt  }
0x54: {  	_ =	shalt  }
0x55: {  	_ =	shalt  }
0x56: {  	_ =	shalt  }
0x57: {  	_ =	shalt  }
0x58: {  	_ =	shalt  }
0x59: {  	_ =	shalt  }
0x5a: {  	_ =	shalt  }
0x5b: {  	_ =	shalt  }
0x5c: {  	_ =	shalt  }
0x5d: {  	_ =	shalt  }
0x5e: {  	_ =	shalt  }
0x5f: {  	_ =	shalt  }
0x60: {  	_ =	shalt  }
0x61: {  	_ =	shalt  }
0x62: {  	_ =	shalt  }
0x63: {  	_ =	shalt  }
0x64: {  	_ =	shalt  }
0x65: {  	_ =	shalt  }
0x66: {  	_ =	shalt  }
0x67: {  	_ =	shalt  }
0x68: {  	_ =	shalt  }
0x69: {  	_ =	shalt  }
0x6a: {  	_ =	shalt  }
0x6b: {  	_ =	shalt  }
0x6c: {  	_ =	shalt  }
0x6d: {  	_ =	shalt  }
0x6e: {  	_ =	shalt  }
0x6f: {  	_ =	shalt  }
0x70: {  	_ =	shalt  }
0x71: {  	_ =	shalt  }
0x72: {  	_ =	shalt  }
0x73: {  	_ =	shalt  }
0x74: {  	_ =	shalt  }
0x75: {  	_ =	shalt  }
0x76: {  	_ =	shalt  }
0x77: {  	_ =	shalt  }
0x78: {  	_ =	shalt  }
0x79: {  	_ =	shalt  }
0x7a: {  	_ =	shalt  }
0x7b: {  	_ =	shalt  }
0x7c: {  	_ =	shalt  }
0x7d: {  	_ =	shalt  }
0x7e: {  	_ =	shalt  }
0x7f: {  	_ =	shalt  }
0x80: {  	_ =	shalt  }
0x81: {  	_ =	shalt  }
0x82: {  	_ =	shalt  }
0x83: {  	_ =	shalt  }
0x84: {  	_ =	shalt  }
0x85: {  	_ =	shalt  }
0x86: {  	_ =	shalt  }
0x87: {  	_ =	shalt  }
.Lfunc_end0:
.L_simem_size_0:
called_computation.2_lowered:
.L_overlay_start_0:
0x88: {  	s2 =	sld [smem:$0x3FD9]  }
0x89: {  	s3 =	sld [smem:$0x3FFE];
	_ =	sdelay $0x1  }
0x8a: {  	s1 =	srdreg.scid  }
0x8b: {  	s0 =	sand.u32 $0x1, s1  }
0x8c: {  	s16 =	sshll.u32 s0, $0xA;
	s2 =	sadd.s32 s3, s2  }
0x8d: {  	s2 =	sadd.s32 s2, s16  }
0x8e: {  	[smem:$0x3FBD] =	sst s2  }
0x8f: {  	_ = 	snop  }
0x90: {  	(tm) =	ssettm $0x1  }
0x91: {  	s17 =	sld [smem:$0x3FFB];
	_ =	sdelay $0x3  }
0x92: {  	_ =	strace s17  }
0x93: {  	s2 =	sld [smem:$0x3FFC];
	_ =	sdelay $0x3  }
0x94: {  	_ =	strace s2  }
0x95: {  	s2 =	sld [smem:$0x3FFD];
	_ =	sdelay $0x3  }
0x96: {  	_ =	strace s2  }
0x97: {  	_ =	strace $0x8FFFFFFF  }
0x98: {  	s18 =	sld [smem:$0x3FDB];
	_ =	sdelay $0x1  }
0x99: {  	s19 =	simm.s32 $_scs_section_size  }
0x9a: {  	s4 =	simm.s32 $_size__tile_overlayer_lowered;
	s5 =	simm.s32 $_tile_overlayer_lowered  }
0x9b: {  	s22 =	simm.s32 $0x1BFF;
	s21 =	sshll.u32 s5, $0x1;
	s2 =	sadd.s32 s19, s18  }
0x9c: {  	s6 =	simm.s32 $0x0;
	s20 =	sshll.u32 s4, $0x1;
	s4 =	sadd.s32 s21, s2  }
0x9d: {  	[timem:s6], [sflag:s22] =	dma.local [hbm:s4], s20  }
0x9e: {  	_ =	swait.ge [sflag:s22], s20  }
0x9f: {  	s3 =	ssub.s32 $0x0, s20;
	[sflag:s22] =	ssyncset.done $0x0  }
0xa0: {  	[sflag:s22] =	ssyncadd.s32 s3;
	_ =	sdelay $0x1  }
0xa1: {  	s23 =	simm.s32 $0x1B8B  }
0xa2: {  	_ =	swait.ge [sflag:s23], $0x1  }
0xa3: {  	[sflag:s23] =	ssyncset.done $0x0  }
0xa4: {  	s25 =	simm.s32 $0x1B8E;
	s24 =	sld [smem:$0x3FFE];
	[sflag:s23] =	ssyncadd.s32 $0xFFFFFFFF  }
0xa5: {  	s26 =	simm.s32 $execute0_lowered;
	[smem:$0x3FD2] =	sst s25  }
0xa6: {  	s4 =	sshll.u32 s26, $0x1;
	_ =	strace $0x80000049;
	[dreg:$0x1] =	wrdreg $0xFFFFFFFF  }
0xa7: {  	s28 =	simm.s32 $_size_execute0_lowered;
	s2 =	sadd.s32 s2, s4;
	[dreg:$0x0] =	wrdreg $0x0  }
0xa8: {  	s4 =	sshll.u32 s28, $0x1;
	[dreg:$0x2] =	wrdreg s2  }
0xa9: {  	[dreg:$0x3] =	wrdreg s4  }
0xaa: {  	[dreg:$0x4] =	wrdreg $0xC0  }
0xab: {  	_ =	task [dreg:s6], $0x5FFFF  }
0xac: {  	[dreg:$0x1] =	wrdreg $0xFFFFFFFF  }
0xad: {  	[dreg:$0x0] =	wrdreg $0x60  }
0xae: {  	[dreg:$0x2] =	wrdreg s24  }
0xaf: {  	[dreg:$0x3] =	wrdreg $0xA  }
0xb0: {  	_ =	task.clear_ibuf [dreg:s6], $0x4FFFF;
	_ =	strace $0x90000049  }
0xb1: {  	s29 =	simm.s32 $0xA;
	_ =	strace $0x8000004B  }
0xb2: {  	_ =	swait.ge [sflag:s29], $0x1  }
0xb3: {  	[sflag:s29] =	ssyncadd.s32 $0xFFFFFFFF  }
0xb4: {  	_ =	strace $0x9000004B  }
0xb5: {  	_ =	sfence  }
0xb6: {  	s30 =	sld [smem:$0x0];
	_ =	sdelay $0x2  }
0xb7: {  	s31 =	sshll.u32 s1, $0xD;
	s1 =	sshrl.u32 s1, $0x2  }
0xb8: {  	s3 =	sand.u32 $0x4000, s31;
	s1 =	sadd.s32 s1, s30  }
0xb9: {  	s0 =	sor.u32 s3, s0;
	s1 =	sshll.u32 s1, $0x11  }
0xba: {  	s0 =	sor.u32 s1, s0  }
0xbb: {  	s0 =	sadd.s32 $0x8F2B, s0  }
0xbc: {  	[sflag:s0] =	ssyncadd.remote.s32 $0x1  }
0xbd: {  	_ =	sfence.sel $0xFFFF  }
0xbe: {  	[dreg:$0x0] =	wrdreg $0xFFFFFFFF;
	(pc) =	sbr.abs _section_cstart, $3  }
0xbf: {  	[dreg:$0x1] =	wrdreg $0xFFFFFFFF  }
0xc0: {  	_ =	task.clear_ibuf [dreg:s6], $0x2FFFF;
	_ =	strace $0x9FFFFFFF  }
0xc1: {  	(tm) =	ssettm $0x7FFFFFFF  }
tec
execute0_lowered:
.L_overlay_start_1:
0x0: {  	(tag) =	ssettag $0x1  }
0x1: {  	s0 =	srdreg.scid;
	s5 =	rddreg [dreg:$0x0]  }
0x2: {  	s1 =	stileid.u32;
	s6 =	simm.s32 $0x1;
	s9 =	simm.s32 $0x1  }
0x3: {  	s10 =	simm.s32 $0x3;
	s13 =	simm.s32 $0x0;
	s2 =	sshll.u32 s0, $0x6  }
0x4: {  	s12 =	simm.s32 $0x0;
	s3 =	sshll.u32 s1, $0x7;
	s2 =	sand.u32 $0x40, s2  }
0x5: {  	s0 =	rddreg [dreg:$0x1];
	_ =	strace $0x8000004A;
	s2 =	sor.u32 s3, s2  }
0x6: {  	s4 =	sadd.s32 $0x41200, s5;
	[sflag:s6] =	ssyncpa.u1 $0x0;
	s8 =	ssub.s32 $0x1000, s2  }
.Ltmp0:
0x7: {  	s3 =	sadd.s32 $0x41000, s5;
	s7 =	sand.u32 $0x7C0, s8;
	(pc) =	sbr.rel .LBB2_1-.Ltmp0, $4  }
0x8: {  	s5 =	sadd.s32 $0x41600, s5;
	s11 =	smov.u32 s2;
	p0 =	sne.s32 s7, $0x0  }
0x9: {  	s8 =	sshrl.u32 s8, $0xB;
	s7 =	simm.s32 $0x2;
	s9 =	simm.s32 @!p0 $0x0  }
0xa: {  	[sflag:s7] =	ssyncpa.u1 $0x0;
	p0 =	por $0x0, $0x0;
	s8 =	sadd.s32 s9, s8  }
0xb: {  	vm0 =	vmmov $0xffff;
	[sflag:s10] =	ssyncpa.u1 $0x0;
	s10 =	simm.s32 $0x0;
	s9 =	sadd.s32 $0x1, s8  }
.LBB2_4:
0xc: {  	v2 =	vnsel vm1, $0x0, v2  }
0xd: {  	vm1 =	vgt.s32 v0, $0x0;
	v2 =	vmin.u32 v2, $0xFFF  }
0xe: {  	v0 =	vnsel vm1, $0x0, v0  }
0xf: {  	v0 =	vmin.u32 v0, $0xFFF  }
0x10: {  	[tilespmem:s15], [sflag:$0x1] =	stream.indirect_vreg.gather [hbm4b:s3+s10], $0x1, v1, vm0, $0x4038;
	[tilespmem:$0x100] =	vst v63  }
0x11: {  	(ifvalue) =	ssetifvalue $0x7FFFFFFF  }
0x12: {  	[tilespmem:s16], [sflag:$0x1] =	stream.indirect_vreg.gather [hbm4b:s3+s10], $0x1, v2, vm0, $0x4038;
	[tilespmem:$0x100] =	vst v63  }
0x13: {  	s29 =	sadd.s32 $0x10, s16;
	(ifvalue) =	ssetifvalue $0x7FFFFFFF  }
0x14: {  	[tilespmem:s29], [sflag:$0x1] =	stream.indirect_vreg.gather [hbm4b:s3+s10], $0x1, v0, vm0, $0x4038;
	[tilespmem:$0x100] =	vst v63  }
0x15: {  	_ =	swait.ge [sflag:s6], $0x40  }
0x16: {  	s30 =	sshrl.u32 s13, $0x3;
	[sflag:s6] =	ssyncset.done $0x0  }
0x17: {  	s31 =	sand.u32 $0x7, s13;
	s15 =	sadd.s32 s5, s30;
	[sflag:s6] =	ssyncadd.s32 $0xFFFFFFC0  }
0x18: {  	[hbm4b:s15+s31] =	stream.linear.scatter [tilespmem:s14], [sflag:$0x3], $0x40, $0x38;
	[tilespmem:$0x100] =	vst v63  }
.LBB2_5:
0x19: {  	s15 =	sadd.s32 $0x800, s11  }
0x1a: {  	p2 =	sgt.s32 s15, $0xFFF  }
0x1b: {  	s15 =	smov.u32 @p2 s2;
	p2 =	sne.s32 s12, s9  }
.Ltmp1:
0x1c: {  	p1 =	slt.u32 s12, $0x2;
	(pc) =	sbr.rel @!p2 .LBB2_6-.Ltmp1, $4  }
0x1d: {  	s14 =	simm.s32 @!p1 $0x3  }
0x1e: {  	s16 =	sadd.s32 $0x1, s12;
	_ =	swait.ge @!p1 [sflag:s14], $0x40  }
0x1f: {  	s13 =	smov.u32 s11;
	p0 =	por !p0, !p0;
	[sflag:s14] =	ssyncset.done @!p1 $0x0  }
0x20: {  	s12 =	smov.u32 s16;
	s11 =	smov.u32 s15;
	[sflag:s14] =	ssyncadd.s32 @!p1 $0xFFFFFFC0  }
.LBB2_1:
0x21: {  	p1 =	sge.u32 s12, s8  }
0x22: {  	s14 =	sxor.u32 @!p1 $0xFFFFFFFF, s12  }
0x23: {  	s31 =	sadd.s32 $0xFFFFFFFF, s12;
	s15 =	sshrl.u32 @!p1 s11, $0x3;
	s14 =	sshll.u32 @!p1 s14, $0x6  }
0x24: {  	s16 =	sand.u32 @!p1 $0x7, s11;
	s15 =	sadd.s32 @!p1 s4, s15;
	s14 =	sand.u32 @!p1 $0x40, s14  }
0x25: {  	[tilespmem:s14], [sflag:$0x2] =	stream.linear.gather @!p1 [hbm4b:s15+s16], $0x40, $0x38;
	[tilespmem:$0x100] =	vst v63  }
0x26: {  	p1 =	sge.u32 s31, s8  }
.Ltmp2:
0x27: {  	_ = 	snop;
	(pc) =	sbr.rel @p1 .LBB2_5-.Ltmp2, $1  }
0x28: {  	_ =	sdelay $0x3  }
0x29: {  	s14 =	simm.s32 $0x1  }
0x2a: {  	_ =	swait.ge [sflag:s7], $0x40;
	s14 =	simm.s32 @!p0 $0x0  }
0x2b: {  	[sflag:s7] =	ssyncset.done $0x0;
	s14 =	sshll.u32 s14, $0x6  }
0x2c: {  	[sflag:s7] =	ssyncadd.s32 $0xFFFFFFC0;
	(ifvalue) =	ssetifvalue $0x7FFFFFFF;
	v0 =	vld.msk [tilespmem:s14+$0x0 ss:$0x1], $0xffff;
	_ =	sdelay $0x4  }
0x2d: {  	s15 =	sadd.s32 $0x10, s14;
	vm1 =	vgt.s32 v0, $0x0  }
0x2e: {  	v2 =	vld.msk [tilespmem:s15+$0x0 ss:$0x1], $0xffff;
	v1 =	vnsel vm1, $0x0, v0  }
0x2f: {  	v1 =	vmin.u32 v1, $0xFFF;
	_ =	sdelay $0x1  }
0x30: {  	s16 =	sshll.u32 s12, $0x6;
	s18 =	simm.s32 $0x20  }
0x31: {  	s16 =	sand.u32 $0x40, s16;
	s17 =	sadd.s32 $0x10, s15;
	s15 =	sor.u32 $0x80, s14  }
0x32: {  	s14 =	sor.u32 $0x80, s16;
	s16 =	sadd.s32 $0x10, s15;
	v0 =	vld.msk [tilespmem:s17+$0x0 ss:$0x1], $0xffff;
	vm1 =	vgt.s32 v2, $0x0;
	(ifvalue) =	ssetifvalue $0x7FFFFFFF  }
.LBB2_3:
0x33: {  	[tilespmem:s15], [sflag:$0x1] =	stream.indirect_vreg.gather [hbm4b:s3+s10], $0x1, v1, vm0, $0x4038;
	[tilespmem:$0x100] =	vst v63  }
0x34: {  	s18 =	sadd.s32 $0x10, s18  }
0x35: {  	v2 =	vnsel vm1, $0x0, v2;
	p1 =	slt.u32 s18, $0x30  }
.Ltmp3:
0x36: {  	s15 =	smov.u32 s16;
	v1 =	vmin.u32 v2, $0xFFF;
	(pc) =	sbr.rel @p1 .LBB2_3-.Ltmp3, $3  }
0x37: {  	_ =	sdelay $0x1  }
0x38: {  	s17 =	sadd.s32 $0x10, s17  }
0x39: {  	vm1 =	vgt.s32 v0, $0x0;
	s16 =	sadd.s32 $0x10, s16;
	v2 =	vmov v0;
	(ifvalue) =	ssetifvalue $0x7FFFFFFF;
	v0 =	vld.msk [tilespmem:s17+$0x0 ss:$0x1], $0xffff  }
.Ltmp4:
0x3a: {  	_ = 	snop;
	(pc) =	sbr.rel .LBB2_4-.Ltmp4, $1  }
0x3b: {  	_ =	sdelay $0x3  }
.LBB2_6:
0x3c: {  	_ =	sfence.sel $0x180000  }
0x3d: {  	s2 =	simm.s32 $0x2;
	[bflag:$0x0] =	sbarrier.arrive $0xFFFF  }
0x3e: {  	s30 =	simm.s32 $0x3;
	[sflag:s2] =	ssyncpa.u1 $0x1  }
0x3f: {  	s31 =	simm.s32 $0x1;
	[sflag:s30] =	ssyncpa.u1 $0x1  }
0x40: {  	[sflag:s31] =	ssyncpa.u1 $0x1  }
0x41: {  	p0 =	sne.s32 s1, $0x0;
	_ =	strace $0x9000004A  }
0x42: {  	s0 =	sadd.s32 @!p0 $0x100000, s0;
	[bflag:$0x2] =	sbarrier.arrive $0xFFFF  }
0x43: {  	[sflag:s0] =	ssyncadd.tile.s32 @!p0 $0x1;
	_ =	shalt  }
.Lfunc_end2:
_tile_overlayer_lowered:
.L_overlay_start_2:
0x44: {  	(tag) =	ssettag $0x2  }
0x45: {  	s0 =	rddreg [dreg:$0x0];
	s2 =	stileid.u32  }
0x46: {  	s1 =	rddreg [dreg:$0x1];
	p0 =	sne.s32 s2, $0x0  }
0x47: {  	s3 =	rddreg [dreg:$0x2];
	[bflag:$0x3] =	sbarrier.arrive $0xFFFF;
	s2 =	simm.s32 @!p0 $0x1C01  }
0x48: {  	[timem:s3], [sflag:s2] =	dma.local @!p0 [hbm:s0], s1  }
0x49: {  	s0 =	simm.s32 @!p0 $0x1  }
0x4a: {  	_ =	swait.ge @!p0 [sflag:s0], s1  }
0x4b: {  	s1 =	ssub.s32 @!p0 $0x0, s1;
	[sflag:s0] =	ssyncset.done @!p0 $0x0  }
0x4c: {  	[sflag:s0] =	ssyncadd.s32 @!p0 s1  }
0x4d: {  	[bflag:$0x3] =	sbarrier.arrive $0xFFFF  }
0x4e: {  	_ =	shalt  }

// kernel: gather_offload_async_start.2
scs
__scs_entry_jumppad:
0x0: {  	(pc) =	sbr.rel $0x88, $3  }
0x1: {  	(tag) =	ssettag $0x0;
	lr =	simm.s32 $0x1  }
0x2: {  	[smem:$0x3F96] =	sst lr;
	_ =	strace $0xD0000000  }
0x3: {  	_ = 	snop  }
0x4: {  	_ = 	snop  }
0x5: {  	_ = 	snop  }
0x6: {  	_ = 	snop  }
0x7: {  	_ = 	snop  }
__scs_overlays_trampoline_lowered:
0x8: {  	[smem:$0x3FA5] =	sst s0  }
0x9: {  	[smem:$0x3FA6] =	sst s1  }
0xa: {  	[smem:$0x3FA7] =	sst s2  }
0xb: {  	[smem:$0x3FA8] =	sst s3  }
0xc: {  	[smem:$0x3FA9] =	sst s4  }
0xd: {  	[smem:$0x3FAA] =	sst s5  }
0xe: {  	[smem:$0x3FAB] =	sst s6  }
0xf: {  	[smem:$0x3FAC] =	sst s7  }
0x10: {  	[smem:$0x3FAD] =	sst s8  }
0x11: {  	[smem:$0x3FAE] =	sst s9;
	s0 =	simm.s32 @!p0 $0x0  }
0x12: {  	s1 =	sld [smem:$0x3F94];
	s0 =	simm.s32 @p0 $0x1  }
0x13: {  	[smem:$0x3FAF] =	sst s0;
	s0 =	simm.s32 @!p1 $0x0  }
0x14: {  	s2 =	sld [smem:$0x3F93];
	s0 =	simm.s32 @p1 $0x1  }
0x15: {  	[smem:$0x3FB0] =	sst s0;
	s0 =	simm.s32 @!p2 $0x0  }
0x16: {  	s3 =	sld [smem:$0x3FDB];
	s0 =	simm.s32 @p2 $0x1  }
0x17: {  	s4 =	simm.s32 $0x1BF5;
	[smem:$0x3FB2] =	sst s0  }
0x18: {  	s0 =	sld [smem:$0x3F95];
	_ =	swait.ge [sflag:s4], $0x0  }
0x19: {  	s7 =	sld [smem:$0x3F96]  }
0x1a: {  	s8 =	sadd.s32 $0xFFFFE003, lr  }
0x1b: {  	s9 =	sadd.s32 $0xFFFFFEF7, lr;
	s5 =	simm.s32 $0xFFFFFFFF;
	p2 =	slt.u32 s8, $0xFFFFF086  }
0x1c: {  	p1 =	slt.u32 s9, $0xF7A;
	s5 =	simm.s32 @!p2 $0x0  }
0x1d: {  	s5 =	simm.s32 @p1 $0x1;
	p0 =	seq.s32 s7, s2  }
0x1e: {  	s7 =	smul.u32 @!p0 $0xF7A, s2;
	p2 =	seq.s32 @!p0 s5, $0x0  }
0x1f: {  	s9 =	smul.u32 $0xF7A, s1;
	s8 =	simm.s32 @!p0 $0x1BF5;
	p2 =	por !p2, p0  }
0x20: {  	[sflag:s8] =	ssyncset.s32 @!p0 $0xFFFFF086;
	s6 =	sadd.s32 @!p0 s3, s7;
	s7 =	simm.s32 @!p0 $0x108  }
0x21: {  	s3 =	sadd.s32 s3, s9;
	s6 =	sadd.s32 @!p0 $0x88, s6;
	s7 =	simm.s32 @p2 $0x1082  }
0x22: {  	[simem:s7], [sflag:s8] =	dma.local @!p0 [hbm:s6], $0xF7A  }
0x23: {  	s9 =	sor.u32 $0xD0000000, s2;
	s6 =	simm.s32 $0x108;
	_ =	swait.ge @!p0 [sflag:s8], $0x0  }
0x24: {  	s3 =	sadd.s32 $0x88, s3;
	s6 =	simm.s32 @!p1 $0x1082;
	[sflag:s4] =	ssyncset.s32 $0xFFFFF086  }
0x25: {  	[simem:s6], [sflag:s4] =	dma.local [hbm:s3], $0xF7A  }
0x26: {  	[smem:$0x3F96] =	sst s1;
	(tag) =	ssettag s2;
	_ =	strace s9  }
0x27: {  	s1 =	sld [smem:$0x3FA6]  }
0x28: {  	s2 =	sld [smem:$0x3FA7]  }
0x29: {  	s4 =	sld [smem:$0x3FA9]  }
0x2a: {  	p0 =	seq.s32 s5, $0x0;
	s5 =	sld [smem:$0x3FAA]  }
0x2b: {  	s6 =	sld [smem:$0x3FAB]  }
0x2c: {  	s7 =	sld [smem:$0x3FAC]  }
0x2d: {  	s3 =	simm.s32 $0x108;
	s8 =	sld [smem:$0x3FAD]  }
0x2e: {  	s3 =	simm.s32 @!p0 $0x1082;
	s9 =	sld [smem:$0x3FAE]  }
0x2f: {  	lr =	sadd.s32 s0, s3;
	s0 =	sld [smem:$0x3FA5]  }
0x30: {  	s3 =	sld [smem:$0x3FA8]  }
0x31: {  	[smem:$0x3FB1] =	sst s10  }
0x32: {  	s10 =	sld [smem:$0x3FAF];
	_ =	sdelay $0x3  }
0x33: {  	p0 =	seq.s32 s10, $0x1;
	s10 =	sld [smem:$0x3FB1];
	_ =	sdelay $0x3  }
0x34: {  	[smem:$0x3FB1] =	sst s10  }
0x35: {  	s10 =	sld [smem:$0x3FB0];
	_ =	sdelay $0x3  }
0x36: {  	p1 =	seq.s32 s10, $0x1;
	s10 =	sld [smem:$0x3FB1];
	_ =	sdelay $0x3  }
0x37: {  	[smem:$0x3FB1] =	sst s10  }
0x38: {  	s10 =	sld [smem:$0x3FB2]  }
0x39: {  	_ = 	snop;
	(pc) =	sbr.ind lr, $3  }
0x3a: {  	_ = 	snop  }
0x3b: {  	_ = 	snop  }
0x3c: {  	p2 =	seq.s32 s10, $0x1;
	s10 =	sld [smem:$0x3FB1]  }
0x3d: {  	_ =	shalt  }
0x3e: {  	_ =	shalt  }
0x3f: {  	_ =	shalt  }
0x40: {  	_ =	shalt  }
0x41: {  	_ =	shalt  }
0x42: {  	_ =	shalt  }
0x43: {  	_ =	shalt  }
0x44: {  	_ =	shalt  }
0x45: {  	_ =	shalt  }
0x46: {  	_ =	shalt  }
0x47: {  	_ =	shalt  }
0x48: {  	_ =	shalt  }
0x49: {  	_ =	shalt  }
0x4a: {  	_ =	shalt  }
0x4b: {  	_ =	shalt  }
0x4c: {  	_ =	shalt  }
0x4d: {  	_ =	shalt  }
0x4e: {  	_ =	shalt  }
0x4f: {  	_ =	shalt  }
0x50: {  	_ =	shalt  }
0x51: {  	_ =	shalt  }
0x52: {  	_ =	shalt  }
0x53: {  	_ =	shalt  }
0x54: {  	_ =	shalt  }
0x55: {  	_ =	shalt  }
0x56: {  	_ =	shalt  }
0x57: {  	_ =	shalt  }
0x58: {  	_ =	shalt  }
0x59: {  	_ =	shalt  }
0x5a: {  	_ =	shalt  }
0x5b: {  	_ =	shalt  }
0x5c: {  	_ =	shalt  }
0x5d: {  	_ =	shalt  }
0x5e: {  	_ =	shalt  }
0x5f: {  	_ =	shalt  }
0x60: {  	_ =	shalt  }
0x61: {  	_ =	shalt  }
0x62: {  	_ =	shalt  }
0x63: {  	_ =	shalt  }
0x64: {  	_ =	shalt  }
0x65: {  	_ =	shalt  }
0x66: {  	_ =	shalt  }
0x67: {  	_ =	shalt  }
0x68: {  	_ =	shalt  }
0x69: {  	_ =	shalt  }
0x6a: {  	_ =	shalt  }
0x6b: {  	_ =	shalt  }
0x6c: {  	_ =	shalt  }
0x6d: {  	_ =	shalt  }
0x6e: {  	_ =	shalt  }
0x6f: {  	_ =	shalt  }
0x70: {  	_ =	shalt  }
0x71: {  	_ =	shalt  }
0x72: {  	_ =	shalt  }
0x73: {  	_ =	shalt  }
0x74: {  	_ =	shalt  }
0x75: {  	_ =	shalt  }
0x76: {  	_ =	shalt  }
0x77: {  	_ =	shalt  }
0x78: {  	_ =	shalt  }
0x79: {  	_ =	shalt  }
0x7a: {  	_ =	shalt  }
0x7b: {  	_ =	shalt  }
0x7c: {  	_ =	shalt  }
0x7d: {  	_ =	shalt  }
0x7e: {  	_ =	shalt  }
0x7f: {  	_ =	shalt  }
0x80: {  	_ =	shalt  }
0x81: {  	_ =	shalt  }
0x82: {  	_ =	shalt  }
0x83: {  	_ =	shalt  }
0x84: {  	_ =	shalt  }
0x85: {  	_ =	shalt  }
0x86: {  	_ =	shalt  }
0x87: {  	_ =	shalt  }
.Lfunc_end0:
.L_simem_size_0:
called_computation.3_lowered:
.L_overlay_start_0:
0x88: {  	s2 =	sld [smem:$0x3FD9]  }
0x89: {  	s3 =	sld [smem:$0x3FFE];
	_ =	sdelay $0x1  }
0x8a: {  	s1 =	srdreg.scid  }
0x8b: {  	s0 =	sand.u32 $0x1, s1  }
0x8c: {  	s17 =	sshll.u32 s0, $0xA;
	s2 =	sadd.s32 s3, s2  }
0x8d: {  	s2 =	sadd.s32 s2, s17  }
0x8e: {  	[smem:$0x3FBD] =	sst s2  }
0x8f: {  	_ = 	snop  }
0x90: {  	s2 =	sld [smem:$0x3FD0];
	(tm) =	ssettm $0x1  }
0x91: {  	s18 =	sld [smem:$0x3FFB];
	_ =	sdelay $0x3  }
0x92: {  	_ =	strace s18  }
0x93: {  	s3 =	sld [smem:$0x3FFC];
	_ =	sdelay $0x3  }
0x94: {  	_ =	strace s3  }
0x95: {  	s3 =	sld [smem:$0x3FFD];
	_ =	sdelay $0x3  }
0x96: {  	_ =	strace s3  }
0x97: {  	_ =	strace $0x8FFFFFFF  }
0x98: {  	s19 =	sld [smem:$0x3FDB];
	_ =	sdelay $0x1  }
0x99: {  	s4 =	simm.s32 $_scs_section_size  }
0x9a: {  	s5 =	simm.s32 $_size__tile_overlayer_lowered;
	s6 =	simm.s32 $_tile_overlayer_lowered  }
0x9b: {  	s22 =	simm.s32 $0x1BFF;
	s21 =	sshll.u32 s6, $0x1;
	s3 =	sadd.s32 s4, s19  }
0x9c: {  	s7 =	simm.s32 $0x0;
	s20 =	sshll.u32 s5, $0x1;
	s5 =	sadd.s32 s21, s3  }
0x9d: {  	[timem:s7], [sflag:s22] =	dma.local [hbm:s5], s20  }
0x9e: {  	_ =	swait.ge [sflag:s22], s20  }
0x9f: {  	s4 =	ssub.s32 $0x0, s20;
	[sflag:s22] =	ssyncset.done $0x0  }
0xa0: {  	[sflag:s22] =	ssyncadd.s32 s4;
	_ =	sdelay $0x1  }
0xa1: {  	s23 =	simm.s32 $0x1B8B  }
0xa2: {  	_ =	swait.ge [sflag:s23], $0x1  }
0xa3: {  	[sflag:s23] =	ssyncset.done $0x0  }
0xa4: {  	s25 =	simm.s32 $0x1B8E;
	s24 =	sld [smem:$0x3FFE];
	[sflag:s23] =	ssyncadd.s32 $0xFFFFFFFF  }
0xa5: {  	s26 =	simm.s32 $execute0_lowered;
	[smem:$0x3FD2] =	sst s25  }
0xa6: {  	s5 =	sshll.u32 s26, $0x1;
	_ =	strace $0x8000004F;
	[dreg:$0x1] =	wrdreg $0xFFFFFFFF  }
0xa7: {  	s28 =	simm.s32 $_size_execute0_lowered;
	s3 =	sadd.s32 s3, s5;
	[dreg:$0x0] =	wrdreg $0x0  }
0xa8: {  	s5 =	sshll.u32 s28, $0x1;
	[dreg:$0x2] =	wrdreg s3  }
0xa9: {  	[dreg:$0x3] =	wrdreg s5  }
0xaa: {  	[dreg:$0x4] =	wrdreg $0xC0  }
0xab: {  	_ =	task [dreg:s7], $0x5FFFF  }
0xac: {  	[dreg:$0x1] =	wrdreg $0xFFFFFFFF  }
0xad: {  	[dreg:$0x0] =	wrdreg $0x60  }
0xae: {  	[dreg:$0x2] =	wrdreg s24  }
0xaf: {  	[dreg:$0x3] =	wrdreg s2  }
0xb0: {  	[dreg:$0x4] =	wrdreg $0x9  }
0xb1: {  	_ =	task.clear_ibuf [dreg:s7], $0x5FFFF;
	_ =	strace $0x9000004F  }
0xb2: {  	s29 =	simm.s32 $0x9;
	_ =	strace $0x80000051  }
0xb3: {  	_ =	swait.ge [sflag:s29], $0x1  }
0xb4: {  	[sflag:s29] =	ssyncadd.s32 $0xFFFFFFFF  }
0xb5: {  	_ =	strace $0x90000051  }
0xb6: {  	_ =	sfence  }
0xb7: {  	s30 =	sld [smem:$0x0];
	_ =	sdelay $0x2  }
0xb8: {  	s31 =	sshll.u32 s1, $0xD;
	s1 =	sshrl.u32 s1, $0x2  }
0xb9: {  	s3 =	sand.u32 $0x4000, s31;
	s1 =	sadd.s32 s1, s30  }
0xba: {  	s0 =	sor.u32 s3, s0;
	s1 =	sshll.u32 s1, $0x11  }
0xbb: {  	s0 =	sor.u32 s1, s0  }
0xbc: {  	s0 =	sadd.s32 $0x8F2B, s0  }
0xbd: {  	[sflag:s0] =	ssyncadd.remote.s32 $0x1  }
0xbe: {  	_ =	sfence.sel $0xFFFF  }
0xbf: {  	[dreg:$0x0] =	wrdreg $0xFFFFFFFF;
	(pc) =	sbr.abs _section_cstart, $3  }
0xc0: {  	[dreg:$0x1] =	wrdreg $0xFFFFFFFF  }
0xc1: {  	_ =	task.clear_ibuf [dreg:s7], $0x2FFFF;
	_ =	strace $0x9FFFFFFF  }
0xc2: {  	(tm) =	ssettm $0x7FFFFFFF  }
0xc3: {  	_ =	shalt  }
tec
execute0_lowered:
.L_overlay_start_1:
0x0: {  	(tag) =	ssettag $0x1  }
0x1: {  	s1 =	srdreg.scid;
	s5 =	rddreg [dreg:$0x0]  }
0x2: {  	s0 =	stileid.u32;
	s2 =	rddreg [dreg:$0x1];
	s6 =	simm.s32 $0x1  }
0x3: {  	s9 =	simm.s32 $0x1;
	s10 =	simm.s32 $0x3;
	s1 =	sshll.u32 s1, $0x6  }
0x4: {  	s13 =	simm.s32 $0x0;
	s3 =	sshll.u32 s0, $0x7;
	s4 =	sand.u32 $0x40, s1  }
0x5: {  	s12 =	simm.s32 $0x0;
	s1 =	rddreg [dreg:$0x2];
	s3 =	sor.u32 s3, s4  }
0x6: {  	_ =	strace $0x80000050;
	s4 =	sadd.s32 $0x41400, s5;
	s8 =	ssub.s32 $0x1000, s3  }
.Ltmp0:
0x7: {  	s5 =	sadd.s32 $0x41200, s5;
	s7 =	sand.u32 $0x7C0, s8;
	(pc) =	sbr.rel .LBB2_1-.Ltmp0, $4  }
0x8: {  	[sflag:s6] =	ssyncpa.u1 $0x0;
	s11 =	smov.u32 s3;
	p0 =	sne.s32 s7, $0x0  }
0x9: {  	s8 =	sshrl.u32 s8, $0xB;
	s7 =	simm.s32 $0x2;
	s9 =	simm.s32 @!p0 $0x0  }
0xa: {  	[sflag:s7] =	ssyncpa.u1 $0x0;
	p0 =	por $0x0, $0x0;
	s8 =	sadd.s32 s9, s8  }
0xb: {  	vm0 =	vmmov $0xffff;
	[sflag:s10] =	ssyncpa.u1 $0x0;
	s10 =	simm.s32 $0x0;
	s9 =	sadd.s32 $0x1, s8  }
.LBB2_4:
0xc: {  	v2 =	vnsel vm1, $0x0, v2  }
0xd: {  	vm1 =	vgt.s32 v0, $0x0;
	v2 =	vmin.u32 v2, $0xFFF  }
0xe: {  	v0 =	vnsel vm1, $0x0, v0  }
0xf: {  	v0 =	vmin.u32 v0, $0xFFF  }
0x10: {  	[tilespmem:s15], [sflag:$0x1] =	stream.indirect_vreg.gather [hbm4b:s4+s10], $0x1, v1, vm0, $0x4038;
	[tilespmem:$0x100] =	vst v63  }
0x11: {  	(ifvalue) =	ssetifvalue $0x7FFFFFFF  }
0x12: {  	[tilespmem:s16], [sflag:$0x1] =	stream.indirect_vreg.gather [hbm4b:s4+s10], $0x1, v2, vm0, $0x4038;
	[tilespmem:$0x100] =	vst v63  }
0x13: {  	s29 =	sadd.s32 $0x10, s16;
	(ifvalue) =	ssetifvalue $0x7FFFFFFF  }
0x14: {  	[tilespmem:s29], [sflag:$0x1] =	stream.indirect_vreg.gather [hbm4b:s4+s10], $0x1, v0, vm0, $0x4038;
	[tilespmem:$0x100] =	vst v63  }
0x15: {  	_ =	swait.ge [sflag:s6], $0x40  }
0x16: {  	s30 =	sshrl.u32 s13, $0x3;
	[sflag:s6] =	ssyncset.done $0x0  }
0x17: {  	s31 =	sand.u32 $0x7, s13;
	s15 =	sadd.s32 s2, s30;
	[sflag:s6] =	ssyncadd.s32 $0xFFFFFFC0  }
0x18: {  	[hbm4b:s15+s31] =	stream.linear.scatter [tilespmem:s14], [sflag:$0x3], $0x40, $0x38;
	[tilespmem:$0x100] =	vst v63  }
.LBB2_5:
0x19: {  	s15 =	sadd.s32 $0x800, s11  }
0x1a: {  	p2 =	sgt.s32 s15, $0xFFF  }
0x1b: {  	s15 =	smov.u32 @p2 s3;
	p2 =	sne.s32 s12, s9  }
.Ltmp1:
0x1c: {  	p1 =	slt.u32 s12, $0x2;
	(pc) =	sbr.rel @!p2 .LBB2_6-.Ltmp1, $4  }
0x1d: {  	s14 =	simm.s32 @!p1 $0x3  }
0x1e: {  	s16 =	sadd.s32 $0x1, s12;
	_ =	swait.ge @!p1 [sflag:s14], $0x40  }
0x1f: {  	s13 =	smov.u32 s11;
	p0 =	por !p0, !p0;
	[sflag:s14] =	ssyncset.done @!p1 $0x0  }
0x20: {  	s12 =	smov.u32 s16;
	s11 =	smov.u32 s15;
	[sflag:s14] =	ssyncadd.s32 @!p1 $0xFFFFFFC0  }
.LBB2_1:
0x21: {  	p1 =	sge.u32 s12, s8  }
0x22: {  	s14 =	sxor.u32 @!p1 $0xFFFFFFFF, s12  }
0x23: {  	s31 =	sadd.s32 $0xFFFFFFFF, s12;
	s15 =	sshrl.u32 @!p1 s11, $0x3;
	s14 =	sshll.u32 @!p1 s14, $0x6  }
0x24: {  	s16 =	sand.u32 @!p1 $0x7, s11;
	s15 =	sadd.s32 @!p1 s5, s15;
	s14 =	sand.u32 @!p1 $0x40, s14  }
0x25: {  	[tilespmem:s14], [sflag:$0x2] =	stream.linear.gather @!p1 [hbm4b:s15+s16], $0x40, $0x38;
	[tilespmem:$0x100] =	vst v63  }
0x26: {  	p1 =	sge.u32 s31, s8  }
.Ltmp2:
0x27: {  	_ = 	snop;
	(pc) =	sbr.rel @p1 .LBB2_5-.Ltmp2, $1  }
0x28: {  	_ =	sdelay $0x3  }
0x29: {  	s14 =	simm.s32 $0x1  }
0x2a: {  	_ =	swait.ge [sflag:s7], $0x40;
	s14 =	simm.s32 @!p0 $0x0  }
0x2b: {  	[sflag:s7] =	ssyncset.done $0x0;
	s14 =	sshll.u32 s14, $0x6  }
0x2c: {  	[sflag:s7] =	ssyncadd.s32 $0xFFFFFFC0;
	(ifvalue) =	ssetifvalue $0x7FFFFFFF;
	v0 =	vld.msk [tilespmem:s14+$0x0 ss:$0x1], $0xffff;
	_ =	sdelay $0x4  }
0x2d: {  	s15 =	sadd.s32 $0x10, s14;
	vm1 =	vgt.s32 v0, $0x0  }
0x2e: {  	v2 =	vld.msk [tilespmem:s15+$0x0 ss:$0x1], $0xffff;
	v1 =	vnsel vm1, $0x0, v0  }
0x2f: {  	v1 =	vmin.u32 v1, $0xFFF;
	_ =	sdelay $0x1  }
0x30: {  	s16 =	sshll.u32 s12, $0x6;
	s18 =	simm.s32 $0x20  }
0x31: {  	s16 =	sand.u32 $0x40, s16;
	s17 =	sadd.s32 $0x10, s15;
	s15 =	sor.u32 $0x80, s14  }
0x32: {  	s14 =	sor.u32 $0x80, s16;
	s16 =	sadd.s32 $0x10, s15;
	v0 =	vld.msk [tilespmem:s17+$0x0 ss:$0x1], $0xffff;
	vm1 =	vgt.s32 v2, $0x0;
	(ifvalue) =	ssetifvalue $0x7FFFFFFF  }
.LBB2_3:
0x33: {  	[tilespmem:s15], [sflag:$0x1] =	stream.indirect_vreg.gather [hbm4b:s4+s10], $0x1, v1, vm0, $0x4038;
	[tilespmem:$0x100] =	vst v63  }
0x34: {  	s18 =	sadd.s32 $0x10, s18  }
0x35: {  	v2 =	vnsel vm1, $0x0, v2;
	p1 =	slt.u32 s18, $0x30  }
.Ltmp3:
0x36: {  	s15 =	smov.u32 s16;
	v1 =	vmin.u32 v2, $0xFFF;
	(pc) =	sbr.rel @p1 .LBB2_3-.Ltmp3, $3  }
0x37: {  	_ =	sdelay $0x1  }
0x38: {  	s17 =	sadd.s32 $0x10, s17  }
0x39: {  	vm1 =	vgt.s32 v0, $0x0;
	s16 =	sadd.s32 $0x10, s16;
	v2 =	vmov v0;
	(ifvalue) =	ssetifvalue $0x7FFFFFFF;
	v0 =	vld.msk [tilespmem:s17+$0x0 ss:$0x1], $0xffff  }
.Ltmp4:
0x3a: {  	_ = 	snop;
	(pc) =	sbr.rel .LBB2_4-.Ltmp4, $1  }
0x3b: {  	_ =	sdelay $0x3  }
.LBB2_6:
0x3c: {  	_ =	sfence.sel $0x180000  }
0x3d: {  	s2 =	simm.s32 $0x2;
	[bflag:$0x0] =	sbarrier.arrive $0xFFFF  }
0x3e: {  	s30 =	simm.s32 $0x3;
	[sflag:s2] =	ssyncpa.u1 $0x1  }
0x3f: {  	s31 =	simm.s32 $0x1;
	[sflag:s30] =	ssyncpa.u1 $0x1  }
0x40: {  	[sflag:s31] =	ssyncpa.u1 $0x1  }
0x41: {  	p0 =	sne.s32 s0, $0x0;
	_ =	strace $0x90000050  }
0x42: {  	s0 =	sadd.s32 @!p0 $0x100000, s1;
	[bflag:$0x2] =	sbarrier.arrive $0xFFFF  }
0x43: {  	[sflag:s0] =	ssyncadd.tile.s32 @!p0 $0x1;
	_ =	shalt  }
.Lfunc_end2:
_tile_overlayer_lowered:
.L_overlay_start_2:
0x44: {  	(tag) =	ssettag $0x2  }
0x45: {  	s0 =	rddreg [dreg:$0x0];
	s2 =	stileid.u32  }
0x46: {  	s1 =	rddreg [dreg:$0x1];
	p0 =	sne.s32 s2, $0x0  }
0x47: {  	s3 =	rddreg [dreg:$0x2];
	[bflag:$0x3] =	sbarrier.arrive $0xFFFF;
	s2 =	simm.s32 @!p0 $0x1C01  }
0x48: {  	[timem:s3], [sflag:s2] =	dma.local @!p0 [hbm:s0], s1  }
0x49: {  	s0 =	simm.s32 @!p0 $0x1  }
0x4a: {  	_ =	swait.ge @!p0 [sflag:s0], s1  }
0x4b: {  	s1 =	ssub.s32 @!p0 $0x0, s1;
	[sflag:s0] =	ssyncset.done @!p0 $0x0  }
0x4c: {  	[sflag:s0] =	ssyncadd.s32 @!p0 s1  }
0x4d: {  	[bflag:$0x3] =	sbarrier.arrive $0xFFFF  }
0x4e: {  	_ =	shalt  }

// kernel: gather_offload_async_start.3
scs
__scs_entry_jumppad:
0x0: {  	(pc) =	sbr.rel $0x88, $3  }
0x1: {  	(tag) =	ssettag $0x0;
	lr =	simm.s32 $0x1  }
0x2: {  	[smem:$0x3F96] =	sst lr;
	_ =	strace $0xD0000000  }
0x3: {  	_ = 	snop  }
0x4: {  	_ = 	snop  }
0x5: {  	_ = 	snop  }
0x6: {  	_ = 	snop  }
0x7: {  	_ = 	snop  }
__scs_overlays_trampoline_lowered:
0x8: {  	[smem:$0x3FA5] =	sst s0  }
0x9: {  	[smem:$0x3FA6] =	sst s1  }
0xa: {  	[smem:$0x3FA7] =	sst s2  }
0xb: {  	[smem:$0x3FA8] =	sst s3  }
0xc: {  	[smem:$0x3FA9] =	sst s4  }
0xd: {  	[smem:$0x3FAA] =	sst s5  }
0xe: {  	[smem:$0x3FAB] =	sst s6  }
0xf: {  	[smem:$0x3FAC] =	sst s7  }
0x10: {  	[smem:$0x3FAD] =	sst s8  }
0x11: {  	[smem:$0x3FAE] =	sst s9;
	s0 =	simm.s32 @!p0 $0x0  }
0x12: {  	s1 =	sld [smem:$0x3F94];
	s0 =	simm.s32 @p0 $0x1  }
0x13: {  	[smem:$0x3FAF] =	sst s0;
	s0 =	simm.s32 @!p1 $0x0  }
0x14: {  	s2 =	sld [smem:$0x3F93];
	s0 =	simm.s32 @p1 $0x1  }
0x15: {  	[smem:$0x3FB0] =	sst s0;
	s0 =	simm.s32 @!p2 $0x0  }
0x16: {  	s3 =	sld [smem:$0x3FDB];
	s0 =	simm.s32 @p2 $0x1  }
0x17: {  	s4 =	simm.s32 $0x1BF5;
	[smem:$0x3FB2] =	sst s0  }
0x18: {  	s0 =	sld [smem:$0x3F95];
	_ =	swait.ge [sflag:s4], $0x0  }
0x19: {  	s7 =	sld [smem:$0x3F96]  }
0x1a: {  	s8 =	sadd.s32 $0xFFFFE003, lr  }
0x1b: {  	s9 =	sadd.s32 $0xFFFFFEF7, lr;
	s5 =	simm.s32 $0xFFFFFFFF;
	p2 =	slt.u32 s8, $0xFFFFF086  }
0x1c: {  	p1 =	slt.u32 s9, $0xF7A;
	s5 =	simm.s32 @!p2 $0x0  }
0x1d: {  	s5 =	simm.s32 @p1 $0x1;
	p0 =	seq.s32 s7, s2  }
0x1e: {  	s7 =	smul.u32 @!p0 $0xF7A, s2;
	p2 =	seq.s32 @!p0 s5, $0x0  }
0x1f: {  	s9 =	smul.u32 $0xF7A, s1;
	s8 =	simm.s32 @!p0 $0x1BF5;
	p2 =	por !p2, p0  }
0x20: {  	[sflag:s8] =	ssyncset.s32 @!p0 $0xFFFFF086;
	s6 =	sadd.s32 @!p0 s3, s7;
	s7 =	simm.s32 @!p0 $0x108  }
0x21: {  	s3 =	sadd.s32 s3, s9;
	s6 =	sadd.s32 @!p0 $0x88, s6;
	s7 =	simm.s32 @p2 $0x1082  }
0x22: {  	[simem:s7], [sflag:s8] =	dma.local @!p0 [hbm:s6], $0xF7A  }
0x23: {  	s9 =	sor.u32 $0xD0000000, s2;
	s6 =	simm.s32 $0x108;
	_ =	swait.ge @!p0 [sflag:s8], $0x0  }
0x24: {  	s3 =	sadd.s32 $0x88, s3;
	s6 =	simm.s32 @!p1 $0x1082;
	[sflag:s4] =	ssyncset.s32 $0xFFFFF086  }
0x25: {  	[simem:s6], [sflag:s4] =	dma.local [hbm:s3], $0xF7A  }
0x26: {  	[smem:$0x3F96] =	sst s1;
	(tag) =	ssettag s2;
	_ =	strace s9  }
0x27: {  	s1 =	sld [smem:$0x3FA6]  }
0x28: {  	s2 =	sld [smem:$0x3FA7]  }
0x29: {  	s4 =	sld [smem:$0x3FA9]  }
0x2a: {  	p0 =	seq.s32 s5, $0x0;
	s5 =	sld [smem:$0x3FAA]  }
0x2b: {  	s6 =	sld [smem:$0x3FAB]  }
0x2c: {  	s7 =	sld [smem:$0x3FAC]  }
0x2d: {  	s3 =	simm.s32 $0x108;
	s8 =	sld [smem:$0x3FAD]  }
0x2e: {  	s3 =	simm.s32 @!p0 $0x1082;
	s9 =	sld [smem:$0x3FAE]  }
0x2f: {  	lr =	sadd.s32 s0, s3;
	s0 =	sld [smem:$0x3FA5]  }
0x30: {  	s3 =	sld [smem:$0x3FA8]  }
0x31: {  	[smem:$0x3FB1] =	sst s10  }
0x32: {  	s10 =	sld [smem:$0x3FAF];
	_ =	sdelay $0x3  }
0x33: {  	p0 =	seq.s32 s10, $0x1;
	s10 =	sld [smem:$0x3FB1];
	_ =	sdelay $0x3  }
0x34: {  	[smem:$0x3FB1] =	sst s10  }
0x35: {  	s10 =	sld [smem:$0x3FB0];
	_ =	sdelay $0x3  }
0x36: {  	p1 =	seq.s32 s10, $0x1;
	s10 =	sld [smem:$0x3FB1];
	_ =	sdelay $0x3  }
0x37: {  	[smem:$0x3FB1] =	sst s10  }
0x38: {  	s10 =	sld [smem:$0x3FB2]  }
0x39: {  	_ = 	snop;
	(pc) =	sbr.ind lr, $3  }
0x3a: {  	_ = 	snop  }
0x3b: {  	_ = 	snop  }
0x3c: {  	p2 =	seq.s32 s10, $0x1;
	s10 =	sld [smem:$0x3FB1]  }
0x3d: {  	_ =	shalt  }
0x3e: {  	_ =	shalt  }
0x3f: {  	_ =	shalt  }
0x40: {  	_ =	shalt  }
0x41: {  	_ =	shalt  }
0x42: {  	_ =	shalt  }
0x43: {  	_ =	shalt  }
0x44: {  	_ =	shalt  }
0x45: {  	_ =	shalt  }
0x46: {  	_ =	shalt  }
0x47: {  	_ =	shalt  }
0x48: {  	_ =	shalt  }
0x49: {  	_ =	shalt  }
0x4a: {  	_ =	shalt  }
0x4b: {  	_ =	shalt  }
0x4c: {  	_ =	shalt  }
0x4d: {  	_ =	shalt  }
0x4e: {  	_ =	shalt  }
0x4f: {  	_ =	shalt  }
0x50: {  	_ =	shalt  }
0x51: {  	_ =	shalt  }
0x52: {  	_ =	shalt  }
0x53: {  	_ =	shalt  }
0x54: {  	_ =	shalt  }
0x55: {  	_ =	shalt  }
0x56: {  	_ =	shalt  }
0x57: {  	_ =	shalt  }
0x58: {  	_ =	shalt  }
0x59: {  	_ =	shalt  }
0x5a: {  	_ =	shalt  }
0x5b: {  	_ =	shalt  }
0x5c: {  	_ =	shalt  }
0x5d: {  	_ =	shalt  }
0x5e: {  	_ =	shalt  }
0x5f: {  	_ =	shalt  }
0x60: {  	_ =	shalt  }
0x61: {  	_ =	shalt  }
0x62: {  	_ =	shalt  }
0x63: {  	_ =	shalt  }
0x64: {  	_ =	shalt  }
0x65: {  	_ =	shalt  }
0x66: {  	_ =	shalt  }
0x67: {  	_ =	shalt  }
0x68: {  	_ =	shalt  }
0x69: {  	_ =	shalt  }
0x6a: {  	_ =	shalt  }
0x6b: {  	_ =	shalt  }
0x6c: {  	_ =	shalt  }
0x6d: {  	_ =	shalt  }
0x6e: {  	_ =	shalt  }
0x6f: {  	_ =	shalt  }
0x70: {  	_ =	shalt  }
0x71: {  	_ =	shalt  }
0x72: {  	_ =	shalt  }
0x73: {  	_ =	shalt  }
0x74: {  	_ =	shalt  }
0x75: {  	_ =	shalt  }
0x76: {  	_ =	shalt  }
0x77: {  	_ =	shalt  }
0x78: {  	_ =	shalt  }
0x79: {  	_ =	shalt  }
0x7a: {  	_ =	shalt  }
0x7b: {  	_ =	shalt  }
0x7c: {  	_ =	shalt  }
0x7d: {  	_ =	shalt  }
0x7e: {  	_ =	shalt  }
0x7f: {  	_ =	shalt  }
0x80: {  	_ =	shalt  }
0x81: {  	_ =	shalt  }
0x82: {  	_ =	shalt  }
0x83: {  	_ =	shalt  }
0x84: {  	_ =	shalt  }
0x85: {  	_ =	shalt  }
0x86: {  	_ =	shalt  }
0x87: {  	_ =	shalt  }
.Lfunc_end0:
.L_simem_size_0:
called_computation.4_lowered:
.L_overlay_start_0:
0x88: {  	s2 =	sld [smem:$0x3FD9]  }
0x89: {  	s3 =	sld [smem:$0x3FFE];
	_ =	sdelay $0x1  }
0x8a: {  	s1 =	srdreg.scid  }
0x8b: {  	s0 =	sand.u32 $0x1, s1  }
0x8c: {  	s17 =	sshll.u32 s0, $0xA;
	s2 =	sadd.s32 s3, s2  }
0x8d: {  	s2 =	sadd.s32 s2, s17  }
0x8e: {  	[smem:$0x3FBD] =	sst s2  }
0x8f: {  	_ = 	snop  }
0x90: {  	s2 =	sld [smem:$0x3FD0];
	(tm) =	ssettm $0x1  }
0x91: {  	s18 =	sld [smem:$0x3FFB];
	_ =	sdelay $0x3  }
0x92: {  	_ =	strace s18  }
0x93: {  	s3 =	sld [smem:$0x3FFC];
	_ =	sdelay $0x3  }
0x94: {  	_ =	strace s3  }
0x95: {  	s3 =	sld [smem:$0x3FFD];
	_ =	sdelay $0x3  }
0x96: {  	_ =	strace s3  }
0x97: {  	_ =	strace $0x8FFFFFFF  }
0x98: {  	s19 =	sld [smem:$0x3FDB];
	_ =	sdelay $0x1  }
0x99: {  	s4 =	simm.s32 $_scs_section_size  }
0x9a: {  	s5 =	simm.s32 $_size__tile_overlayer_lowered;
	s6 =	simm.s32 $_tile_overlayer_lowered  }
0x9b: {  	s22 =	simm.s32 $0x1BFF;
	s21 =	sshll.u32 s6, $0x1;
	s3 =	sadd.s32 s4, s19  }
0x9c: {  	s7 =	simm.s32 $0x0;
	s20 =	sshll.u32 s5, $0x1;
	s5 =	sadd.s32 s21, s3  }
0x9d: {  	[timem:s7], [sflag:s22] =	dma.local [hbm:s5], s20  }
0x9e: {  	_ =	swait.ge [sflag:s22], s20  }
0x9f: {  	s4 =	ssub.s32 $0x0, s20;
	[sflag:s22] =	ssyncset.done $0x0  }
0xa0: {  	[sflag:s22] =	ssyncadd.s32 s4;
	_ =	sdelay $0x1  }
0xa1: {  	s23 =	simm.s32 $0x1B8B  }
0xa2: {  	_ =	swait.ge [sflag:s23], $0x1  }
0xa3: {  	[sflag:s23] =	ssyncset.done $0x0  }
0xa4: {  	s25 =	simm.s32 $0x1B8E;
	s24 =	sld [smem:$0x3FFE];
	[sflag:s23] =	ssyncadd.s32 $0xFFFFFFFF  }
0xa5: {  	s26 =	simm.s32 $execute0_lowered;
	[smem:$0x3FD2] =	sst s25  }
0xa6: {  	s5 =	sshll.u32 s26, $0x1;
	_ =	strace $0x80000052;
	[dreg:$0x1] =	wrdreg $0xFFFFFFFF  }
0xa7: {  	s28 =	simm.s32 $_size_execute0_lowered;
	s3 =	sadd.s32 s3, s5;
	[dreg:$0x0] =	wrdreg $0x0  }
0xa8: {  	s5 =	sshll.u32 s28, $0x1;
	[dreg:$0x2] =	wrdreg s3  }
0xa9: {  	[dreg:$0x3] =	wrdreg s5  }
0xaa: {  	[dreg:$0x4] =	wrdreg $0xC0  }
0xab: {  	_ =	task [dreg:s7], $0x5FFFF  }
0xac: {  	[dreg:$0x1] =	wrdreg $0xFFFFFFFF  }
0xad: {  	[dreg:$0x0] =	wrdreg $0x60  }
0xae: {  	[dreg:$0x2] =	wrdreg s2  }
0xaf: {  	[dreg:$0x3] =	wrdreg s24  }
0xb0: {  	[dreg:$0x4] =	wrdreg $0x9  }
0xb1: {  	_ =	task.clear_ibuf [dreg:s7], $0x5FFFF;
	_ =	strace $0x90000052  }
0xb2: {  	s29 =	simm.s32 $0x9;
	_ =	strace $0x80000054  }
0xb3: {  	_ =	swait.ge [sflag:s29], $0x1  }
0xb4: {  	[sflag:s29] =	ssyncadd.s32 $0xFFFFFFFF  }
0xb5: {  	_ =	strace $0x90000054  }
0xb6: {  	_ =	sfence  }
0xb7: {  	s30 =	sld [smem:$0x0];
	_ =	sdelay $0x2  }
0xb8: {  	s31 =	sshll.u32 s1, $0xD;
	s1 =	sshrl.u32 s1, $0x2  }
0xb9: {  	s3 =	sand.u32 $0x4000, s31;
	s1 =	sadd.s32 s1, s30  }
0xba: {  	s0 =	sor.u32 s3, s0;
	s1 =	sshll.u32 s1, $0x11  }
0xbb: {  	s0 =	sor.u32 s1, s0  }
0xbc: {  	s0 =	sadd.s32 $0x8F2B, s0  }
0xbd: {  	[sflag:s0] =	ssyncadd.remote.s32 $0x1  }
0xbe: {  	_ =	sfence.sel $0xFFFF  }
0xbf: {  	[dreg:$0x0] =	wrdreg $0xFFFFFFFF;
	(pc) =	sbr.abs _section_cstart, $3  }
0xc0: {  	[dreg:$0x1] =	wrdreg $0xFFFFFFFF  }
0xc1: {  	_ =	task.clear_ibuf [dreg:s7], $0x2FFFF;
	_ =	strace $0x9FFFFFFF  }
0xc2: {  	(tm) =	ssettm $0x7FFFFFFF  }
0xc3: {  	_ =	shalt  }
tec
execute0_lowered:
.L_overlay_start_1:
0x0: {  	(tag) =	ssettag $0x1  }
0x1: {  	s2 =	rddreg [dreg:$0x0]  }
0x2: {  	s7 =	rddreg [dreg:$0x1]  }
0x3: {  	s0 =	rddreg [dreg:$0x2]  }
0x4: {  	s1 =	srdreg.scid;
	_ =	strace $0x80000053;
	s4 =	simm.s32 $0x1  }
0x5: {  	s9 =	simm.s32 $0x3;
	s11 =	simm.s32 $0x0;
	s5 =	sshll.u32 s1, $0x4  }
.Ltmp0:
0x6: {  	s1 =	stileid.u32;
	s5 =	sand.u32 $0x10, s5;
	(pc) =	sbr.rel .LBB2_1-.Ltmp0, $4  }
0x7: {  	p0 =	por $0x0, $0x0;
	s3 =	sadd.s32 $0x400, s7;
	s6 =	sor.u32 s1, s5  }
0x8: {  	[sflag:s4] =	ssyncpa.u1 $0x0;
	s5 =	simm.s32 $0x2;
	s6 =	sshll.u32 s6, $0x7  }
0x9: {  	s7 =	sadd.s32 $0x41000, s7;
	[sflag:s5] =	ssyncpa.u1 $0x0;
	s8 =	sadd.s32 $0x80, s6  }
0xa: {  	vm0 =	vmmov $0xff;
	vm1 =	vcmask $0x3F20;
	[sflag:s9] =	ssyncpa.u1 $0x0;
	s10 =	smov.u32 s6;
	s9 =	simm.s32 $0x0  }
.LBB2_9:
0xb: {  	p1 =	slt.u32 s9, $0x2;
	s11 =	sadd.s32 $0x20, s10  }
0xc: {  	s13 =	smov.u32 s6;
	s9 =	sadd.s32 $0x1, s9;
	p2 =	slt.s32 s11, s8  }
0xd: {  	s13 =	smov.u32 @p2 s11;
	p2 =	sne.s32 s9, $0x6  }
.Ltmp1:
0xe: {  	_ = 	snop;
	(pc) =	sbr.rel @!p2 .LBB2_10-.Ltmp1, $4  }
0xf: {  	s12 =	simm.s32 @!p1 $0x3  }
0x10: {  	_ =	swait.ge @!p1 [sflag:s12], $0x8000  }
0x11: {  	p0 =	por !p0, !p0;
	[sflag:s12] =	ssyncset.done @!p1 $0x0  }
0x12: {  	s11 =	smov.u32 s10;
	s10 =	smov.u32 s13;
	[sflag:s12] =	ssyncadd.s32 @!p1 $0xFFFF8000  }
.LBB2_1:
0x13: {  	p1 =	sgt.u32 s9, $0x3  }
0x14: {  	s12 =	sxor.u32 @!p1 $0xFFFFFFFF, s9  }
0x15: {  	s13 =	sshrl.u32 @!p1 s10, $0x3;
	s12 =	sshll.u32 @!p1 s12, $0x5  }
0x16: {  	s14 =	sand.u32 @!p1 $0x7, s10;
	s13 =	sadd.s32 @!p1 s3, s13;
	s12 =	sand.u32 @!p1 $0x20, s12  }
0x17: {  	[tilespmem:s12], [sflag:$0x2] =	stream.linear.gather @!p1 [hbm4b:s13+s14], $0x20, $0x38;
	[tilespmem:$0x10040] =	vst v63  }
0x18: {  	p1 =	seq.s32 s9, $0x0  }
0x19: {  	p2 =	seq.s32 @!p1 s9, $0x5  }
0x1a: {  	p1 =	por p1, p2  }
.Ltmp2:
0x1b: {  	_ = 	snop;
	(pc) =	sbr.rel @p1 .LBB2_9-.Ltmp2, $1  }
0x1c: {  	_ =	sdelay $0x3  }
0x1d: {  	s12 =	simm.s32 $0x1  }
0x1e: {  	_ =	swait.ge [sflag:s5], $0x20;
	s13 =	sand.u32 $0x1, s9;
	s12 =	simm.s32 @!p0 $0x0  }
0x1f: {  	s15 =	simm.s32 $0x0;
	p2 =	por $0x1, $0x1;
	s12 =	sshll.u32 s12, $0x11  }
0x20: {  	[sflag:s5] =	ssyncset.done $0x0;
	s13 =	sshll.u32 s13, $0x5;
	s14 =	sshrl.u32 s12, $0x2  }
0x21: {  	[sflag:s5] =	ssyncadd.s32 $0xFFFFFFE0;
	s12 =	sor.u32 $0x40, s14;
	s14 =	sadd.s32 $0x40, s14  }
.LBB2_3:
0x22: {  	s16 =	sshll.u32 s15, $0x4  }
0x23: {  	s16 =	sand.u32 $0x3FFFFFF0, s16  }
0x24: {  	s16 =	sadd.s32 s16, s13  }
0x25: {  	v0 =	vld.msk [tilespmem:s16+$0x0 ss:$0x1], $0xffff;
	_ =	sdelay $0x4  }
0x26: {  	vm2 =	vgt.s32 v0, $0x0  }
0x27: {  	v0 =	vnsel vm2, $0x0, v0  }
0x28: {  	v0 =	vmin.u32 v0, $0x17FF  }
0x29: {  	v1 =	vshll.u32 v0, $0x7;
	v0 =	vshll.u32 v0, $0x4  }
0x2a: {  	v1 =	vand.u32 $0xFFC00, v1;
	v0 =	vand.u32 $0x70, v0  }
0x2b: {  	v0 =	vor.u32 v0, v1  }
0x2c: {  	s31 =	sshll.u32 s15, $0x10  }
0x2d: {  	s15 =	sshra.s32 s31, $0x2  }
0x2e: {  	s15 =	sadd.s32 s15, s14  }
0x2f: {  	s17 =	sadd.s32 $0x0, s15  }
0x30: {  	[tilespmem:s17], [sflag:$0x1] =	stream.indirect_vreg.gather [hbm:s2], $0x80, v0, vm0, $0x38;
	[tilespmem:$0x10040] =	vst v63  }
0x31: {  	p1 =	por p2, p2;
	s16 =	simm.s32 $0x1000;
	v1 =	vadd.s32 $0x80, v0;
	s17 =	sadd.s32 $0x2000, s17  }
.LBB2_4:
0x32: {  	[tilespmem:s17], [sflag:$0x1] =	stream.indirect_vreg.gather [hbm:s2], $0x80, v0, vm1, $0x38;
	[tilespmem:$0x10040] =	vst v63  }
0x33: {  	v0 =	vmov v1;
	s17 =	smov.u32 s16;
	p2 =	sne.s32 s16, $0x7000  }
.Ltmp3:
0x34: {  	s16 =	sadd.s32 $0x1000, s16;
	(pc) =	sbr.rel @p2 .LBB2_4-.Ltmp3, $4  }
0x35: {  	s17 =	sshra.s32 s17, $0x2  }
0x36: {  	s17 =	sadd.s32 s17, s15  }
0x37: {  	[tilespmem:s17], [sflag:$0x1] =	stream.indirect_vreg.gather [hbm:s2], $0x80, v1, vm0, $0x38;
	[tilespmem:$0x10040] =	vst v63  }
0x38: {  	s17 =	sadd.s32 $0x2000, s17;
	v1 =	vadd.s32 $0x80, v1  }
0x39: {  	_ = 	snop  }
.Ltmp4:
0x3a: {  	_ = 	snop;
	(pc) =	sbr.rel @p1 .LBB2_3-.Ltmp4, $3  }
0x3b: {  	_ =	sdelay $0x1  }
0x3c: {  	[tilespmem:s17], [sflag:$0x1] =	stream.indirect_vreg.gather [hbm:s2], $0x80, v0, vm1, $0x38;
	[tilespmem:$0x10040] =	vst v63  }
0x3d: {  	s15 =	simm.s32 $0x1;
	p2 =	por $0x0, $0x0  }
0x3e: {  	s13 =	sshll.u32 s11, $0x7  }
0x3f: {  	s31 =	sshll.u32 s11, $0x4;
	s13 =	sand.u32 $0xFFFFFC00, s13  }
0x40: {  	_ =	swait.ge [sflag:s4], $0x8000;
	s11 =	sand.u32 $0x70, s31;
	s13 =	sadd.s32 s13, s7  }
0x41: {  	s14 =	sadd.s32 $0x2000, s12;
	[sflag:s4] =	ssyncset.done $0x0;
	s11 =	sadd.s32 s11, s13  }
0x42: {  	[sflag:s4] =	ssyncadd.s32 $0xFFFF8000;
	s13 =	simm.s32 $0x400;
	s15 =	sadd.s32 $0x0, s11  }
.LBB2_7:
0x43: {  	[hbm:s15] =	stream.linear.scatter [tilespmem:s12], [sflag:$0x3], $0x2000, $0x38;
	[tilespmem:$0x10040] =	vst v63  }
0x44: {  	s15 =	smov.u32 s13;
	s12 =	smov.u32 s14;
	p1 =	sne.s32 s13, $0xC00  }
.Ltmp5:
0x45: {  	s13 =	sadd.s32 $0x400, s13;
	(pc) =	sbr.rel @p1 .LBB2_7-.Ltmp5, $2  }
0x46: {  	_ =	sdelay $0x2  }
0x47: {  	s14 =	sadd.s32 $0x2000, s14;
	s15 =	sadd.s32 s15, s11  }
.Ltmp6:
0x48: {  	(pc) =	sbr.rel .LBB2_9-.Ltmp6, $2  }
0x49: {  	_ =	sdelay $0x2  }
0x4a: {  	[hbm:s15] =	stream.linear.scatter [tilespmem:s12], [sflag:$0x3], $0x2000, $0x38;
	[tilespmem:$0x10040] =	vst v63  }
.LBB2_10:
0x4b: {  	_ =	sfence.sel $0x180000  }
0x4c: {  	s2 =	simm.s32 $0x2;
	[bflag:$0x0] =	sbarrier.arrive $0xFFFF  }
0x4d: {  	s30 =	simm.s32 $0x3;
	[sflag:s2] =	ssyncpa.u1 $0x1  }
0x4e: {  	s31 =	simm.s32 $0x1;
	[sflag:s30] =	ssyncpa.u1 $0x1  }
0x4f: {  	[sflag:s31] =	ssyncpa.u1 $0x1  }
0x50: {  	p0 =	sne.s32 s1, $0x0;
	_ =	strace $0x90000053  }
0x51: {  	s0 =	sadd.s32 @!p0 $0x100000, s0;
	[bflag:$0x2] =	sbarrier.arrive $0xFFFF  }
0x52: {  	[sflag:s0] =	ssyncadd.tile.s32 @!p0 $0x1;
	_ =	shalt  }
.Lfunc_end2:
_tile_overlayer_lowered:
.L_overlay_start_2:
0x53: {  	(tag) =	ssettag $0x2  }
0x54: {  	s0 =	rddreg [dreg:$0x0];
	s2 =	stileid.u32  }
0x55: {  	s1 =	rddreg [dreg:$0x1];
	p0 =	sne.s32 s2, $0x0  }
0x56: {  	s3 =	rddreg [dreg:$0x2];
	[bflag:$0x3] =	sbarrier.arrive $0xFFFF;
	s2 =	simm.s32 @!p0 $0x1C01  }
0x57: {  	[timem:s3], [sflag:s2] =	dma.local @!p0 [hbm:s0], s1  }
0x58: {  	s0 =	simm.s32 @!p0 $0x1  }
0x59: {  	_ =	swait.ge @!p0 [sflag:s0], s1  }
0x5a: {  	s1 =	ssub.s32 @!p0 $0x0, s1;
	[sflag:s0] =	ssyncset.done @!p0 $0x0  }
0x5b: {  	[sflag:s0] =	ssyncadd.s32 @!p0 s1  }
0x5c: {  	[bflag:$0x3] =	sbarrier.arrive $0xFFFF  }
0x5d: {  	_ =	shalt  }

// kernel: gather_offload_async_start
scs
__scs_entry_jumppad:
0x0: {  	(pc) =	sbr.rel $0x88, $3  }
0x1: {  	(tag) =	ssettag $0x0;
	lr =	simm.s32 $0x1  }
0x2: {  	[smem:$0x3F96] =	sst lr;
	_ =	strace $0xD0000000  }
0x3: {  	_ = 	snop  }
0x4: {  	_ = 	snop  }
0x5: {  	_ = 	snop  }
0x6: {  	_ = 	snop  }
0x7: {  	_ = 	snop  }
__scs_overlays_trampoline_lowered:
0x8: {  	[smem:$0x3FA5] =	sst s0  }
0x9: {  	[smem:$0x3FA6] =	sst s1  }
0xa: {  	[smem:$0x3FA7] =	sst s2  }
0xb: {  	[smem:$0x3FA8] =	sst s3  }
0xc: {  	[smem:$0x3FA9] =	sst s4  }
0xd: {  	[smem:$0x3FAA] =	sst s5  }
0xe: {  	[smem:$0x3FAB] =	sst s6  }
0xf: {  	[smem:$0x3FAC] =	sst s7  }
0x10: {  	[smem:$0x3FAD] =	sst s8  }
0x11: {  	[smem:$0x3FAE] =	sst s9;
	s0 =	simm.s32 @!p0 $0x0  }
0x12: {  	s1 =	sld [smem:$0x3F94];
	s0 =	simm.s32 @p0 $0x1  }
0x13: {  	[smem:$0x3FAF] =	sst s0;
	s0 =	simm.s32 @!p1 $0x0  }
0x14: {  	s2 =	sld [smem:$0x3F93];
	s0 =	simm.s32 @p1 $0x1  }
0x15: {  	[smem:$0x3FB0] =	sst s0;
	s0 =	simm.s32 @!p2 $0x0  }
0x16: {  	s3 =	sld [smem:$0x3FDB];
	s0 =	simm.s32 @p2 $0x1  }
0x17: {  	s4 =	simm.s32 $0x1BF5;
	[smem:$0x3FB2] =	sst s0  }
0x18: {  	s0 =	sld [smem:$0x3F95];
	_ =	swait.ge [sflag:s4], $0x0  }
0x19: {  	s7 =	sld [smem:$0x3F96]  }
0x1a: {  	s8 =	sadd.s32 $0xFFFFE003, lr  }
0x1b: {  	s9 =	sadd.s32 $0xFFFFFEF7, lr;
	s5 =	simm.s32 $0xFFFFFFFF;
	p2 =	slt.u32 s8, $0xFFFFF086  }
0x1c: {  	p1 =	slt.u32 s9, $0xF7A;
	s5 =	simm.s32 @!p2 $0x0  }
0x1d: {  	s5 =	simm.s32 @p1 $0x1;
	p0 =	seq.s32 s7, s2  }
0x1e: {  	s7 =	smul.u32 @!p0 $0xF7A, s2;
	p2 =	seq.s32 @!p0 s5, $0x0  }
0x1f: {  	s9 =	smul.u32 $0xF7A, s1;
	s8 =	simm.s32 @!p0 $0x1BF5;
	p2 =	por !p2, p0  }
0x20: {  	[sflag:s8] =	ssyncset.s32 @!p0 $0xFFFFF086;
	s6 =	sadd.s32 @!p0 s3, s7;
	s7 =	simm.s32 @!p0 $0x108  }
0x21: {  	s3 =	sadd.s32 s3, s9;
	s6 =	sadd.s32 @!p0 $0x88, s6;
	s7 =	simm.s32 @p2 $0x1082  }
0x22: {  	[simem:s7], [sflag:s8] =	dma.local @!p0 [hbm:s6], $0xF7A  }
0x23: {  	s9 =	sor.u32 $0xD0000000, s2;
	s6 =	simm.s32 $0x108;
	_ =	swait.ge @!p0 [sflag:s8], $0x0  }
0x24: {  	s3 =	sadd.s32 $0x88, s3;
	s6 =	simm.s32 @!p1 $0x1082;
	[sflag:s4] =	ssyncset.s32 $0xFFFFF086  }
0x25: {  	[simem:s6], [sflag:s4] =	dma.local [hbm:s3], $0xF7A  }
0x26: {  	[smem:$0x3F96] =	sst s1;
	(tag) =	ssettag s2;
	_ =	strace s9  }
0x27: {  	s1 =	sld [smem:$0x3FA6]  }
0x28: {  	s2 =	sld [smem:$0x3FA7]  }
0x29: {  	s4 =	sld [smem:$0x3FA9]  }
0x2a: {  	p0 =	seq.s32 s5, $0x0;
	s5 =	sld [smem:$0x3FAA]  }
0x2b: {  	s6 =	sld [smem:$0x3FAB]  }
0x2c: {  	s7 =	sld [smem:$0x3FAC]  }
0x2d: {  	s3 =	simm.s32 $0x108;
	s8 =	sld [smem:$0x3FAD]  }
0x2e: {  	s3 =	simm.s32 @!p0 $0x1082;
	s9 =	sld [smem:$0x3FAE]  }
0x2f: {  	lr =	sadd.s32 s0, s3;
	s0 =	sld [smem:$0x3FA5]  }
0x30: {  	s3 =	sld [smem:$0x3FA8]  }
0x31: {  	[smem:$0x3FB1] =	sst s10  }
0x32: {  	s10 =	sld [smem:$0x3FAF];
	_ =	sdelay $0x3  }
0x33: {  	p0 =	seq.s32 s10, $0x1;
	s10 =	sld [smem:$0x3FB1];
	_ =	sdelay $0x3  }
0x34: {  	[smem:$0x3FB1] =	sst s10  }
0x35: {  	s10 =	sld [smem:$0x3FB0];
	_ =	sdelay $0x3  }
0x36: {  	p1 =	seq.s32 s10, $0x1;
	s10 =	sld [smem:$0x3FB1];
	_ =	sdelay $0x3  }
0x37: {  	[smem:$0x3FB1] =	sst s10  }
0x38: {  	s10 =	sld [smem:$0x3FB2]  }
0x39: {  	_ = 	snop;
	(pc) =	sbr.ind lr, $3  }
0x3a: {  	_ = 	snop  }
0x3b: {  	_ = 	snop  }
0x3c: {  	p2 =	seq.s32 s10, $0x1;
	s10 =	sld [smem:$0x3FB1]  }
0x3d: {  	_ =	shalt  }
0x3e: {  	_ =	shalt  }
0x3f: {  	_ =	shalt  }
0x40: {  	_ =	shalt  }
0x41: {  	_ =	shalt  }
0x42: {  	_ =	shalt  }
0x43: {  	_ =	shalt  }
0x44: {  	_ =	shalt  }
0x45: {  	_ =	shalt  }
0x46: {  	_ =	shalt  }
0x47: {  	_ =	shalt  }
0x48: {  	_ =	shalt  }
0x49: {  	_ =	shalt  }
0x4a: {  	_ =	shalt  }
0x4b: {  	_ =	shalt  }
0x4c: {  	_ =	shalt  }
0x4d: {  	_ =	shalt  }
0x4e: {  	_ =	shalt  }
0x4f: {  	_ =	shalt  }
0x50: {  	_ =	shalt  }
0x51: {  	_ =	shalt  }
0x52: {  	_ =	shalt  }
0x53: {  	_ =	shalt  }
0x54: {  	_ =	shalt  }
0x55: {  	_ =	shalt  }
0x56: {  	_ =	shalt  }
0x57: {  	_ =	shalt  }
0x58: {  	_ =	shalt  }
0x59: {  	_ =	shalt  }
0x5a: {  	_ =	shalt  }
0x5b: {  	_ =	shalt  }
0x5c: {  	_ =	shalt  }
0x5d: {  	_ =	shalt  }
0x5e: {  	_ =	shalt  }
0x5f: {  	_ =	shalt  }
0x60: {  	_ =	shalt  }
0x61: {  	_ =	shalt  }
0x62: {  	_ =	shalt  }
0x63: {  	_ =	shalt  }
0x64: {  	_ =	shalt  }
0x65: {  	_ =	shalt  }
0x66: {  	_ =	shalt  }
0x67: {  	_ =	shalt  }
0x68: {  	_ =	shalt  }
0x69: {  	_ =	shalt  }
0x6a: {  	_ =	shalt  }
0x6b: {  	_ =	shalt  }
0x6c: {  	_ =	shalt  }
0x6d: {  	_ =	shalt  }
0x6e: {  	_ =	shalt  }
0x6f: {  	_ =	shalt  }
0x70: {  	_ =	shalt  }
0x71: {  	_ =	shalt  }
0x72: {  	_ =	shalt  }
0x73: {  	_ =	shalt  }
0x74: {  	_ =	shalt  }
0x75: {  	_ =	shalt  }
0x76: {  	_ =	shalt  }
0x77: {  	_ =	shalt  }
0x78: {  	_ =	shalt  }
0x79: {  	_ =	shalt  }
0x7a: {  	_ =	shalt  }
0x7b: {  	_ =	shalt  }
0x7c: {  	_ =	shalt  }
0x7d: {  	_ =	shalt  }
0x7e: {  	_ =	shalt  }
0x7f: {  	_ =	shalt  }
0x80: {  	_ =	shalt  }
0x81: {  	_ =	shalt  }
0x82: {  	_ =	shalt  }
0x83: {  	_ =	shalt  }
0x84: {  	_ =	shalt  }
0x85: {  	_ =	shalt  }
0x86: {  	_ =	shalt  }
0x87: {  	_ =	shalt  }
.Lfunc_end0:
.L_simem_size_0:
called_computation.1_lowered:
.L_overlay_start_0:
0x88: {  	s2 =	sld [smem:$0x3FD9]  }
0x89: {  	s3 =	sld [smem:$0x3FFE];
	_ =	sdelay $0x1  }
0x8a: {  	s1 =	srdreg.scid  }
0x8b: {  	s0 =	sand.u32 $0x1, s1  }
0x8c: {  	s17 =	sshll.u32 s0, $0xA;
	s2 =	sadd.s32 s3, s2  }
0x8d: {  	s2 =	sadd.s32 s2, s17  }
0x8e: {  	[smem:$0x3FBD] =	sst s2  }
0x8f: {  	_ = 	snop  }
0x90: {  	s2 =	sld [smem:$0x3FC8]  }
0x91: {  	s18 =	sld [smem:$0x3FD0];
	(tm) =	ssettm $0x1  }
0x92: {  	s4 =	sld [smem:$0x3FFB];
	_ =	sdelay $0x3  }
0x93: {  	_ =	strace s4  }
0x94: {  	s4 =	sld [smem:$0x3FFC];
	_ =	sdelay $0x3  }
0x95: {  	_ =	strace s4  }
0x96: {  	s4 =	sld [smem:$0x3FFD];
	_ =	sdelay $0x3  }
0x97: {  	_ =	strace s4  }
0x98: {  	_ =	strace $0x8FFFFFFF  }
0x99: {  	s19 =	sld [smem:$0x3FDB];
	_ =	sdelay $0x1  }
0x9a: {  	s5 =	simm.s32 $_scs_section_size  }
0x9b: {  	s6 =	simm.s32 $_size__tile_overlayer_lowered;
	s7 =	simm.s32 $_tile_overlayer_lowered  }
0x9c: {  	s22 =	simm.s32 $0x1BFF;
	s21 =	sshll.u32 s7, $0x1;
	s4 =	sadd.s32 s5, s19  }
0x9d: {  	s8 =	simm.s32 $0x0;
	s20 =	sshll.u32 s6, $0x1;
	s6 =	sadd.s32 s21, s4  }
0x9e: {  	[timem:s8], [sflag:s22] =	dma.local [hbm:s6], s20  }
0x9f: {  	_ =	swait.ge [sflag:s22], s20  }
0xa0: {  	s5 =	ssub.s32 $0x0, s20;
	[sflag:s22] =	ssyncset.done $0x0  }
0xa1: {  	[sflag:s22] =	ssyncadd.s32 s5;
	_ =	sdelay $0x1  }
0xa2: {  	s23 =	simm.s32 $0x1B8B  }
0xa3: {  	_ =	swait.ge [sflag:s23], $0x1  }
0xa4: {  	[sflag:s23] =	ssyncset.done $0x0  }
0xa5: {  	s25 =	simm.s32 $0x1B8E;
	s24 =	sld [smem:$0x3FFE];
	[sflag:s23] =	ssyncadd.s32 $0xFFFFFFFF  }
0xa6: {  	s26 =	simm.s32 $execute0_lowered;
	[smem:$0x3FD2] =	sst s25  }
0xa7: {  	s6 =	sshll.u32 s26, $0x1;
	_ =	strace $0x80000046;
	[dreg:$0x1] =	wrdreg $0xFFFFFFFF  }
0xa8: {  	s28 =	simm.s32 $_size_execute0_lowered;
	s4 =	sadd.s32 s4, s6;
	[dreg:$0x0] =	wrdreg $0x0  }
0xa9: {  	s6 =	sshll.u32 s28, $0x1;
	[dreg:$0x2] =	wrdreg s4  }
0xaa: {  	[dreg:$0x3] =	wrdreg s6  }
0xab: {  	[dreg:$0x4] =	wrdreg $0xC0  }
0xac: {  	_ =	task [dreg:s8], $0x5FFFF  }
0xad: {  	[dreg:$0x1] =	wrdreg $0xFFFFFFFF  }
0xae: {  	[dreg:$0x0] =	wrdreg $0x60  }
0xaf: {  	[dreg:$0x2] =	wrdreg s2  }
0xb0: {  	[dreg:$0x3] =	wrdreg s24  }
0xb1: {  	[dreg:$0x4] =	wrdreg s18  }
0xb2: {  	[dreg:$0x5] =	wrdreg $0x9  }
0xb3: {  	_ =	task.clear_ibuf [dreg:s8], $0x6FFFF;
	_ =	strace $0x90000046  }
0xb4: {  	s29 =	simm.s32 $0x9;
	_ =	strace $0x80000048  }
0xb5: {  	_ =	swait.ge [sflag:s29], $0x1  }
0xb6: {  	[sflag:s29] =	ssyncadd.s32 $0xFFFFFFFF  }
0xb7: {  	_ =	strace $0x90000048  }
0xb8: {  	_ =	sfence  }
0xb9: {  	s30 =	sld [smem:$0x0];
	_ =	sdelay $0x2  }
0xba: {  	s31 =	sshll.u32 s1, $0xD;
	s1 =	sshrl.u32 s1, $0x2  }
0xbb: {  	s3 =	sand.u32 $0x4000, s31;
	s1 =	sadd.s32 s1, s30  }
0xbc: {  	s0 =	sor.u32 s3, s0;
	s1 =	sshll.u32 s1, $0x11  }
0xbd: {  	s0 =	sor.u32 s1, s0  }
0xbe: {  	s0 =	sadd.s32 $0x8F2B, s0  }
0xbf: {  	[sflag:s0] =	ssyncadd.remote.s32 $0x1  }
0xc0: {  	_ =	sfence.sel $0xFFFF  }
0xc1: {  	[dreg:$0x0] =	wrdreg $0xFFFFFFFF;
	(pc) =	sbr.abs _section_cstart, $3  }
0xc2: {  	[dreg:$0x1] =	wrdreg $0xFFFFFFFF  }
0xc3: {  	_ =	task.clear_ibuf [dreg:s8], $0x2FFFF;
	_ =	strace $0x9FFFFFFF  }
0xc4: {  	(tm) =	ssettm $0x7FFFFFFF  }
0xc5: {  	_ =	shalt  }
tec
execute0_lowered:
.L_overlay_start_1:
0x0: {  	(tag) =	ssettag $0x1  }
0x1: {  	s2 =	rddreg [dreg:$0x0]  }
0x2: {  	s3 =	rddreg [dreg:$0x1]  }
0x3: {  	s4 =	rddreg [dreg:$0x2]  }
0x4: {  	s0 =	rddreg [dreg:$0x3];
	s1 =	srdreg.scid  }
0x5: {  	_ =	strace $0x80000047;
	s5 =	simm.s32 $0x1;
	s6 =	sshll.u32 s1, $0x4  }
.Ltmp0:
0x6: {  	s1 =	stileid.u32;
	s6 =	sand.u32 $0x10, s6;
	(pc) =	sbr.rel .LBB2_1-.Ltmp0, $4  }
0x7: {  	s9 =	simm.s32 $0x3;
	s11 =	simm.s32 $0x0;
	s7 =	sor.u32 s1, s6  }
0x8: {  	[sflag:s5] =	ssyncpa.u1 $0x0;
	s6 =	simm.s32 $0x2;
	s7 =	sshll.u32 s7, $0x6  }
0x9: {  	p0 =	por $0x0, $0x0;
	[sflag:s6] =	ssyncpa.u1 $0x0;
	s8 =	sadd.s32 $0x40, s7  }
0xa: {  	vm0 =	vmmov $0xff;
	vm1 =	vcmask $0x3F20;
	[sflag:s9] =	ssyncpa.u1 $0x0;
	s10 =	smov.u32 s7;
	s9 =	simm.s32 $0x0  }
.LBB2_9:
0xb: {  	p1 =	slt.u32 s9, $0x2;
	s11 =	sadd.s32 $0x20, s10  }
0xc: {  	s13 =	smov.u32 s7;
	s9 =	sadd.s32 $0x1, s9;
	p2 =	slt.s32 s11, s8  }
0xd: {  	s13 =	smov.u32 @p2 s11;
	p2 =	sne.s32 s9, $0x4  }
.Ltmp1:
0xe: {  	_ = 	snop;
	(pc) =	sbr.rel @!p2 .LBB2_10-.Ltmp1, $4  }
0xf: {  	s12 =	simm.s32 @!p1 $0x3  }
0x10: {  	_ =	swait.ge @!p1 [sflag:s12], $0x8000  }
0x11: {  	p0 =	por !p0, !p0;
	[sflag:s12] =	ssyncset.done @!p1 $0x0  }
0x12: {  	s11 =	smov.u32 s10;
	s10 =	smov.u32 s13;
	[sflag:s12] =	ssyncadd.s32 @!p1 $0xFFFF8000  }
.LBB2_1:
0x13: {  	p1 =	sgt.u32 s9, $0x1  }
0x14: {  	s12 =	sshll.u32 @!p1 s9, $0x5;
	s13 =	sshrl.u32 @!p1 s10, $0x3  }
0x15: {  	s14 =	sand.u32 @!p1 $0x7, s10;
	s12 =	sxor.u32 @!p1 $0x20, s12;
	s13 =	sadd.s32 @!p1 s3, s13  }
0x16: {  	[tilespmem:s12], [sflag:$0x2] =	stream.linear.gather @!p1 [hbm4b:s13+s14], $0x20, $0x38;
	[tilespmem:$0x10040] =	vst v63  }
0x17: {  	p1 =	seq.s32 s9, $0x0  }
0x18: {  	p2 =	seq.s32 @!p1 s9, $0x3  }
0x19: {  	p1 =	por p1, p2  }
.Ltmp2:
0x1a: {  	_ = 	snop;
	(pc) =	sbr.rel @p1 .LBB2_9-.Ltmp2, $1  }
0x1b: {  	_ =	sdelay $0x3  }
0x1c: {  	s12 =	simm.s32 $0x1  }
0x1d: {  	_ =	swait.ge [sflag:s6], $0x20;
	s13 =	sand.u32 $0x1, s9;
	s12 =	simm.s32 @!p0 $0x0  }
0x1e: {  	s15 =	simm.s32 $0x0;
	p2 =	por $0x1, $0x1;
	s12 =	sshll.u32 s12, $0x11  }
0x1f: {  	[sflag:s6] =	ssyncset.done $0x0;
	s13 =	sshll.u32 s13, $0x5;
	s14 =	sshrl.u32 s12, $0x2  }
0x20: {  	[sflag:s6] =	ssyncadd.s32 $0xFFFFFFE0;
	s12 =	sor.u32 $0x40, s14;
	s14 =	sadd.s32 $0x40, s14  }
.LBB2_3:
0x21: {  	s16 =	sshll.u32 s15, $0x4  }
0x22: {  	s16 =	sand.u32 $0x3FFFFFF0, s16  }
0x23: {  	s16 =	sadd.s32 s16, s13  }
0x24: {  	v0 =	vld.msk [tilespmem:s16+$0x0 ss:$0x1], $0xffff;
	_ =	sdelay $0x4  }
0x25: {  	vm2 =	vgt.s32 v0, $0x0  }
0x26: {  	v0 =	vnsel vm2, $0x0, v0  }
0x27: {  	v0 =	vmin.u32 v0, $0x7CFF  }
0x28: {  	v1 =	vshll.u32 v0, $0x7;
	v0 =	vshll.u32 v0, $0x4  }
0x29: {  	v1 =	vand.u32 $0x3FFC00, v1;
	v0 =	vand.u32 $0x70, v0  }
0x2a: {  	v0 =	vor.u32 v0, v1  }
0x2b: {  	s31 =	sshll.u32 s15, $0x10  }
0x2c: {  	s15 =	sshra.s32 s31, $0x2  }
0x2d: {  	s15 =	sadd.s32 s15, s14  }
0x2e: {  	s17 =	sadd.s32 $0x0, s15  }
0x2f: {  	[tilespmem:s17], [sflag:$0x1] =	stream.indirect_vreg.gather [hbm:s2], $0x80, v0, vm0, $0x38;
	[tilespmem:$0x10040] =	vst v63  }
0x30: {  	p1 =	por p2, p2;
	s16 =	simm.s32 $0x1000;
	v1 =	vadd.s32 $0x80, v0;
	s17 =	sadd.s32 $0x2000, s17  }
.LBB2_4:
0x31: {  	[tilespmem:s17], [sflag:$0x1] =	stream.indirect_vreg.gather [hbm:s2], $0x80, v0, vm1, $0x38;
	[tilespmem:$0x10040] =	vst v63  }
0x32: {  	v0 =	vmov v1;
	s17 =	smov.u32 s16;
	p2 =	sne.s32 s16, $0x7000  }
.Ltmp3:
0x33: {  	s16 =	sadd.s32 $0x1000, s16;
	(pc) =	sbr.rel @p2 .LBB2_4-.Ltmp3, $4  }
0x34: {  	s17 =	sshra.s32 s17, $0x2  }
0x35: {  	s17 =	sadd.s32 s17, s15  }
0x36: {  	[tilespmem:s17], [sflag:$0x1] =	stream.indirect_vreg.gather [hbm:s2], $0x80, v1, vm0, $0x38;
	[tilespmem:$0x10040] =	vst v63  }
0x37: {  	s17 =	sadd.s32 $0x2000, s17;
	v1 =	vadd.s32 $0x80, v1  }
0x38: {  	_ = 	snop  }
.Ltmp4:
0x39: {  	_ = 	snop;
	(pc) =	sbr.rel @p1 .LBB2_3-.Ltmp4, $3  }
0x3a: {  	_ =	sdelay $0x1  }
0x3b: {  	[tilespmem:s17], [sflag:$0x1] =	stream.indirect_vreg.gather [hbm:s2], $0x80, v0, vm1, $0x38;
	[tilespmem:$0x10040] =	vst v63  }
0x3c: {  	s15 =	simm.s32 $0x1;
	p2 =	por $0x0, $0x0  }
0x3d: {  	s13 =	sshll.u32 s11, $0x7  }
0x3e: {  	s31 =	sshll.u32 s11, $0x4;
	s13 =	sand.u32 $0xFFFFFC00, s13  }
0x3f: {  	_ =	swait.ge [sflag:s5], $0x8000;
	s11 =	sand.u32 $0x70, s31;
	s13 =	sadd.s32 s13, s4  }
0x40: {  	s14 =	sadd.s32 $0x2000, s12;
	[sflag:s5] =	ssyncset.done $0x0;
	s11 =	sadd.s32 s11, s13  }
0x41: {  	[sflag:s5] =	ssyncadd.s32 $0xFFFF8000;
	s13 =	simm.s32 $0x400;
	s15 =	sadd.s32 $0x0, s11  }
.LBB2_7:
0x42: {  	[hbm:s15] =	stream.linear.scatter [tilespmem:s12], [sflag:$0x3], $0x2000, $0x38;
	[tilespmem:$0x10040] =	vst v63  }
0x43: {  	s15 =	smov.u32 s13;
	s12 =	smov.u32 s14;
	p1 =	sne.s32 s13, $0xC00  }
.Ltmp5:
0x44: {  	s13 =	sadd.s32 $0x400, s13;
	(pc) =	sbr.rel @p1 .LBB2_7-.Ltmp5, $2  }
0x45: {  	_ =	sdelay $0x2  }
0x46: {  	s14 =	sadd.s32 $0x2000, s14;
	s15 =	sadd.s32 s15, s11  }
.Ltmp6:
0x47: {  	(pc) =	sbr.rel .LBB2_9-.Ltmp6, $2  }
0x48: {  	_ =	sdelay $0x2  }
0x49: {  	[hbm:s15] =	stream.linear.scatter [tilespmem:s12], [sflag:$0x3], $0x2000, $0x38;
	[tilespmem:$0x10040] =	vst v63  }
.LBB2_10:
0x4a: {  	_ =	sfence.sel $0x180000  }
0x4b: {  	s2 =	simm.s32 $0x2;
	[bflag:$0x0] =	sbarrier.arrive $0xFFFF  }
0x4c: {  	s30 =	simm.s32 $0x3;
	[sflag:s2] =	ssyncpa.u1 $0x1  }
0x4d: {  	s31 =	simm.s32 $0x1;
	[sflag:s30] =	ssyncpa.u1 $0x1  }
0x4e: {  	[sflag:s31] =	ssyncpa.u1 $0x1  }
0x4f: {  	p0 =	sne.s32 s1, $0x0;
	_ =	strace $0x90000047  }
0x50: {  	s0 =	sadd.s32 @!p0 $0x100000, s0;
	[bflag:$0x2] =	sbarrier.arrive $0xFFFF  }
0x51: {  	[sflag:s0] =	ssyncadd.tile.s32 @!p0 $0x1;
	_ =	shalt  }
.Lfunc_end2:
_tile_overlayer_lowered:
.L_overlay_start_2:
0x52: {  	(tag) =	ssettag $0x2  }
0x53: {  	s0 =	rddreg [dreg:$0x0];
	s2 =	stileid.u32  }
0x54: {  	s1 =	rddreg [dreg:$0x1];
	p0 =	sne.s32 s2, $0x0  }
0x55: {  	s3 =	rddreg [dreg:$0x2];
	[bflag:$0x3] =	sbarrier.arrive $0xFFFF;
	s2 =	simm.s32 @!p0 $0x1C01  }
0x56: {  	[timem:s3], [sflag:s2] =	dma.local @!p0 [hbm:s0], s1  }
0x57: {  	s0 =	simm.s32 @!p0 $0x1  }
0x58: {  	_ =	swait.ge @!p0 [sflag:s0], s1  }
0x59: {  	s1 =	ssub.s32 @!p0 $0x0, s1;
	[sflag:s0] =	ssyncset.done @!p0 $0x0  }
0x5a: {  	[sflag:s0] =	ssyncadd.s32 @!p0 s1  }
0x5b: {  	[bflag:$0x3] =	sbarrier.arrive $0xFFFF  }
0x5c: {  	_ =	shalt  }

// kernel: scatter_offload_async_start
scs
__scs_entry_jumppad:
0x0: {  	(pc) =	sbr.rel $0x88, $3  }
0x1: {  	(tag) =	ssettag $0x0;
	lr =	simm.s32 $0x1  }
0x2: {  	[smem:$0x3F96] =	sst lr;
	_ =	strace $0xD0000000  }
0x3: {  	_ = 	snop  }
0x4: {  	_ = 	snop  }
0x5: {  	_ = 	snop  }
0x6: {  	_ = 	snop  }
0x7: {  	_ = 	snop  }
__scs_overlays_trampoline_lowered:
0x8: {  	[smem:$0x3FA5] =	sst s0  }
0x9: {  	[smem:$0x3FA6] =	sst s1  }
0xa: {  	[smem:$0x3FA7] =	sst s2  }
0xb: {  	[smem:$0x3FA8] =	sst s3  }
0xc: {  	[smem:$0x3FA9] =	sst s4  }
0xd: {  	[smem:$0x3FAA] =	sst s5  }
0xe: {  	[smem:$0x3FAB] =	sst s6  }
0xf: {  	[smem:$0x3FAC] =	sst s7  }
0x10: {  	[smem:$0x3FAD] =	sst s8  }
0x11: {  	[smem:$0x3FAE] =	sst s9;
	s0 =	simm.s32 @!p0 $0x0  }
0x12: {  	s1 =	sld [smem:$0x3F94];
	s0 =	simm.s32 @p0 $0x1  }
0x13: {  	[smem:$0x3FAF] =	sst s0;
	s0 =	simm.s32 @!p1 $0x0  }
0x14: {  	s2 =	sld [smem:$0x3F93];
	s0 =	simm.s32 @p1 $0x1  }
0x15: {  	[smem:$0x3FB0] =	sst s0;
	s0 =	simm.s32 @!p2 $0x0  }
0x16: {  	s3 =	sld [smem:$0x3FDB];
	s0 =	simm.s32 @p2 $0x1  }
0x17: {  	s4 =	simm.s32 $0x1BF5;
	[smem:$0x3FB2] =	sst s0  }
0x18: {  	s0 =	sld [smem:$0x3F95];
	_ =	swait.ge [sflag:s4], $0x0  }
0x19: {  	s7 =	sld [smem:$0x3F96]  }
0x1a: {  	s8 =	sadd.s32 $0xFFFFE003, lr  }
0x1b: {  	s9 =	sadd.s32 $0xFFFFFEF7, lr;
	s5 =	simm.s32 $0xFFFFFFFF;
	p2 =	slt.u32 s8, $0xFFFFF086  }
0x1c: {  	p1 =	slt.u32 s9, $0xF7A;
	s5 =	simm.s32 @!p2 $0x0  }
0x1d: {  	s5 =	simm.s32 @p1 $0x1;
	p0 =	seq.s32 s7, s2  }
0x1e: {  	s7 =	smul.u32 @!p0 $0xF7A, s2;
	p2 =	seq.s32 @!p0 s5, $0x0  }
0x1f: {  	s9 =	smul.u32 $0xF7A, s1;
	s8 =	simm.s32 @!p0 $0x1BF5;
	p2 =	por !p2, p0  }
0x20: {  	[sflag:s8] =	ssyncset.s32 @!p0 $0xFFFFF086;
	s6 =	sadd.s32 @!p0 s3, s7;
	s7 =	simm.s32 @!p0 $0x108  }
0x21: {  	s3 =	sadd.s32 s3, s9;
	s6 =	sadd.s32 @!p0 $0x88, s6;
	s7 =	simm.s32 @p2 $0x1082  }
0x22: {  	[simem:s7], [sflag:s8] =	dma.local @!p0 [hbm:s6], $0xF7A  }
0x23: {  	s9 =	sor.u32 $0xD0000000, s2;
	s6 =	simm.s32 $0x108;
	_ =	swait.ge @!p0 [sflag:s8], $0x0  }
0x24: {  	s3 =	sadd.s32 $0x88, s3;
	s6 =	simm.s32 @!p1 $0x1082;
	[sflag:s4] =	ssyncset.s32 $0xFFFFF086  }
0x25: {  	[simem:s6], [sflag:s4] =	dma.local [hbm:s3], $0xF7A  }
0x26: {  	[smem:$0x3F96] =	sst s1;
	(tag) =	ssettag s2;
	_ =	strace s9  }
0x27: {  	s1 =	sld [smem:$0x3FA6]  }
0x28: {  	s2 =	sld [smem:$0x3FA7]  }
0x29: {  	s4 =	sld [smem:$0x3FA9]  }
0x2a: {  	p0 =	seq.s32 s5, $0x0;
	s5 =	sld [smem:$0x3FAA]  }
0x2b: {  	s6 =	sld [smem:$0x3FAB]  }
0x2c: {  	s7 =	sld [smem:$0x3FAC]  }
0x2d: {  	s3 =	simm.s32 $0x108;
	s8 =	sld [smem:$0x3FAD]  }
0x2e: {  	s3 =	simm.s32 @!p0 $0x1082;
	s9 =	sld [smem:$0x3FAE]  }
0x2f: {  	lr =	sadd.s32 s0, s3;
	s0 =	sld [smem:$0x3FA5]  }
0x30: {  	s3 =	sld [smem:$0x3FA8]  }
0x31: {  	[smem:$0x3FB1] =	sst s10  }
0x32: {  	s10 =	sld [smem:$0x3FAF];
	_ =	sdelay $0x3  }
0x33: {  	p0 =	seq.s32 s10, $0x1;
	s10 =	sld [smem:$0x3FB1];
	_ =	sdelay $0x3  }
0x34: {  	[smem:$0x3FB1] =	sst s10  }
0x35: {  	s10 =	sld [smem:$0x3FB0];
	_ =	sdelay $0x3  }
0x36: {  	p1 =	seq.s32 s10, $0x1;
	s10 =	sld [smem:$0x3FB1];
	_ =	sdelay $0x3  }
0x37: {  	[smem:$0x3FB1] =	sst s10  }
0x38: {  	s10 =	sld [smem:$0x3FB2]  }
0x39: {  	_ = 	snop;
	(pc) =	sbr.ind lr, $3  }
0x3a: {  	_ = 	snop  }
0x3b: {  	_ = 	snop  }
0x3c: {  	p2 =	seq.s32 s10, $0x1;
	s10 =	sld [smem:$0x3FB1]  }
0x3d: {  	_ =	shalt  }
0x3e: {  	_ =	shalt  }
0x3f: {  	_ =	shalt  }
0x40: {  	_ =	shalt  }
0x41: {  	_ =	shalt  }
0x42: {  	_ =	shalt  }
0x43: {  	_ =	shalt  }
0x44: {  	_ =	shalt  }
0x45: {  	_ =	shalt  }
0x46: {  	_ =	shalt  }
0x47: {  	_ =	shalt  }
0x48: {  	_ =	shalt  }
0x49: {  	_ =	shalt  }
0x4a: {  	_ =	shalt  }
0x4b: {  	_ =	shalt  }
0x4c: {  	_ =	shalt  }
0x4d: {  	_ =	shalt  }
0x4e: {  	_ =	shalt  }
0x4f: {  	_ =	shalt  }
0x50: {  	_ =	shalt  }
0x51: {  	_ =	shalt  }
0x52: {  	_ =	shalt  }
0x53: {  	_ =	shalt  }
0x54: {  	_ =	shalt  }
0x55: {  	_ =	shalt  }
0x56: {  	_ =	shalt  }
0x57: {  	_ =	shalt  }
0x58: {  	_ =	shalt  }
0x59: {  	_ =	shalt  }
0x5a: {  	_ =	shalt  }
0x5b: {  	_ =	shalt  }
0x5c: {  	_ =	shalt  }
0x5d: {  	_ =	shalt  }
0x5e: {  	_ =	shalt  }
0x5f: {  	_ =	shalt  }
0x60: {  	_ =	shalt  }
0x61: {  	_ =	shalt  }
0x62: {  	_ =	shalt  }
0x63: {  	_ =	shalt  }
0x64: {  	_ =	shalt  }
0x65: {  	_ =	shalt  }
0x66: {  	_ =	shalt  }
0x67: {  	_ =	shalt  }
0x68: {  	_ =	shalt  }
0x69: {  	_ =	shalt  }
0x6a: {  	_ =	shalt  }
0x6b: {  	_ =	shalt  }
0x6c: {  	_ =	shalt  }
0x6d: {  	_ =	shalt  }
0x6e: {  	_ =	shalt  }
0x6f: {  	_ =	shalt  }
0x70: {  	_ =	shalt  }
0x71: {  	_ =	shalt  }
0x72: {  	_ =	shalt  }
0x73: {  	_ =	shalt  }
0x74: {  	_ =	shalt  }
0x75: {  	_ =	shalt  }
0x76: {  	_ =	shalt  }
0x77: {  	_ =	shalt  }
0x78: {  	_ =	shalt  }
0x79: {  	_ =	shalt  }
0x7a: {  	_ =	shalt  }
0x7b: {  	_ =	shalt  }
0x7c: {  	_ =	shalt  }
0x7d: {  	_ =	shalt  }
0x7e: {  	_ =	shalt  }
0x7f: {  	_ =	shalt  }
0x80: {  	_ =	shalt  }
0x81: {  	_ =	shalt  }
0x82: {  	_ =	shalt  }
0x83: {  	_ =	shalt  }
0x84: {  	_ =	shalt  }
0x85: {  	_ =	shalt  }
0x86: {  	_ =	shalt  }
0x87: {  	_ =	shalt  }
.Lfunc_end0:
.L_simem_size_0:
called_computation_lowered:
.L_overlay_start_0:
0x88: {  	s0 =	sld [smem:$0x3FD9]  }
0x89: {  	s1 =	sld [smem:$0x3FFE];
	_ =	sdelay $0x3  }
0x8a: {  	s0 =	sadd.s32 s1, s0  }
0x8b: {  	[smem:$0x3FBD] =	sst s0  }
0x8c: {  	_ = 	snop  }
0x8d: {  	s0 =	sld [smem:$0x3FD0];
	(tm) =	ssettm $0x1  }
0x8e: {  	s16 =	sld [smem:$0x3FFB];
	_ =	sdelay $0x3  }
0x8f: {  	_ =	strace s16  }
0x90: {  	s1 =	sld [smem:$0x3FFC];
	_ =	sdelay $0x3  }
0x91: {  	_ =	strace s1  }
0x92: {  	s1 =	sld [smem:$0x3FFD];
	_ =	sdelay $0x3  }
0x93: {  	_ =	strace s1  }
0x94: {  	_ =	strace $0x8FFFFFFF  }
0x95: {  	s17 =	sld [smem:$0x3FDB];
	_ =	sdelay $0x1  }
0x96: {  	s2 =	simm.s32 $_scs_section_size  }
0x97: {  	s3 =	simm.s32 $_size__tile_overlayer_lowered;
	s4 =	simm.s32 $_tile_overlayer_lowered  }
0x98: {  	s20 =	simm.s32 $0x1BFF;
	s19 =	sshll.u32 s4, $0x1;
	s1 =	sadd.s32 s2, s17  }
0x99: {  	s5 =	simm.s32 $0x0;
	s18 =	sshll.u32 s3, $0x1;
	s3 =	sadd.s32 s19, s1  }
0x9a: {  	[timem:s5], [sflag:s20] =	dma.local [hbm:s3], s18  }
0x9b: {  	_ =	swait.ge [sflag:s20], s18  }
0x9c: {  	s2 =	ssub.s32 $0x0, s18;
	[sflag:s20] =	ssyncset.done $0x0  }
0x9d: {  	[sflag:s20] =	ssyncadd.s32 s2;
	_ =	sdelay $0x1  }
0x9e: {  	s21 =	simm.s32 $0x1B8B  }
0x9f: {  	_ =	swait.ge [sflag:s21], $0x1  }
0xa0: {  	[sflag:s21] =	ssyncset.done $0x0  }
0xa1: {  	s23 =	simm.s32 $0x1B8E;
	s22 =	sld [smem:$0x3FFE];
	[sflag:s21] =	ssyncadd.s32 $0xFFFFFFFF  }
0xa2: {  	s24 =	simm.s32 $execute0_lowered;
	[smem:$0x3FD2] =	sst s23  }
0xa3: {  	s3 =	sshll.u32 s24, $0x1;
	_ =	strace $0x8000004C;
	[dreg:$0x1] =	wrdreg $0xFFFFFFFF  }
0xa4: {  	s25 =	simm.s32 $_size_execute0_lowered;
	s1 =	sadd.s32 s1, s3;
	[dreg:$0x0] =	wrdreg $0x0  }
0xa5: {  	s3 =	sshll.u32 s25, $0x1;
	[dreg:$0x2] =	wrdreg s1  }
0xa6: {  	[dreg:$0x3] =	wrdreg s3  }
0xa7: {  	[dreg:$0x4] =	wrdreg $0xC0  }
0xa8: {  	_ =	task [dreg:s5], $0x5FFFF  }
0xa9: {  	[dreg:$0x1] =	wrdreg $0xFFFFFFFF  }
0xaa: {  	[dreg:$0x0] =	wrdreg $0x60  }
0xab: {  	[dreg:$0x2] =	wrdreg s22  }
0xac: {  	[dreg:$0x3] =	wrdreg s0  }
0xad: {  	[dreg:$0x4] =	wrdreg $0x9  }
0xae: {  	_ =	task.clear_ibuf [dreg:s5], $0x5FFFF;
	_ =	strace $0x9000004C  }
0xaf: {  	s26 =	simm.s32 $0x9;
	_ =	strace $0x8000004E  }
0xb0: {  	_ =	swait.ge [sflag:s26], $0x1  }
0xb1: {  	[sflag:s26] =	ssyncadd.s32 $0xFFFFFFFF  }
0xb2: {  	_ =	strace $0x9000004E  }
0xb3: {  	_ =	sfence  }
0xb4: {  	s28 =	sld [smem:$0x0];
	_ =	sdelay $0x1  }
0xb5: {  	s29 =	srdreg.scid  }
0xb6: {  	s30 =	sshll.u32 s29, $0xD;
	s31 =	sshrl.u32 s29, $0x2  }
0xb7: {  	s2 =	sand.u32 $0x4000, s30;
	s1 =	sand.u32 $0x1, s29;
	s0 =	sadd.s32 s31, s28  }
0xb8: {  	s1 =	sor.u32 s2, s1;
	s0 =	sshll.u32 s0, $0x11  }
0xb9: {  	s0 =	sor.u32 s0, s1  }
0xba: {  	s0 =	sadd.s32 $0x8F2B, s0  }
0xbb: {  	[sflag:s0] =	ssyncadd.remote.s32 $0x1  }
0xbc: {  	_ =	sfence.sel $0xFFFF  }
0xbd: {  	[dreg:$0x0] =	wrdreg $0xFFFFFFFF;
	(pc) =	sbr.abs _section_cstart, $3  }
0xbe: {  	[dreg:$0x1] =	wrdreg $0xFFFFFFFF  }
0xbf: {  	_ =	task.clear_ibuf [dreg:s5], $0x2FFFF;
	_ =	strace $0x9FFFFFFF  }
0xc0: {  	(tm) =	ssettm $0x7FFFFFFF  }
0xc1: {  	_ =	shalt  }
tec
execute0_lowered:
.L_overlay_start_1:
0x0: {  	(tag) =	ssettag $0x1  }
0x1: {  	s1 =	rddreg [dreg:$0x0]  }
0x2: {  	s5 =	rddreg [dreg:$0x1]  }
0x3: {  	s0 =	rddreg [dreg:$0x2];
	s6 =	stileid.u32  }
0x4: {  	_ =	strace $0x8000004D;
	s3 =	simm.s32 $0x3E;
	p0 =	sne.s32 s6, $0x0  }
0x5: {  	[sflag:s3] =	ssyncpa.u1 $0x0;
	s4 =	simm.s32 @!p0 $0x1C3E;
	s2 =	simm.s32 @!p0 $0x0  }
0x6: {  	[spmem:s2], [sflag:s4] =	dma.local @!p0 [hbm:s1], $0x10  }
0x7: {  	s4 =	simm.s32 @!p0 $0x3E  }
0x8: {  	_ =	swait.ge @!p0 [sflag:s4], $0x10  }
0x9: {  	[sflag:s4] =	ssyncset.done @!p0 $0x0  }
0xa: {  	[sflag:s4] =	ssyncadd.s32 @!p0 $0xFFFFFFF0  }
0xb: {  	s9 =	simm.s32 $0x108;
	s7 =	sadd.s32 $0x41800, s1;
	[bflag:$0x0] =	sbarrier.arrive $0xFFFF  }
0xc: {  	s6 =	sshll.u32 s6, $0x5;
	[sflag:s3] =	ssyncpa.u1 $0x1;
	s3 =	simm.s32 $0x1  }
0xd: {  	s8 =	sadd.s32 s5, s6;
	s4 =	simm.s32 $0x2;
	[sflag:s3] =	ssyncpa.u1 $0x0  }
0xe: {  	s5 =	simm.s32 $0x0;
	(ifvalue) =	ssetifvalue $0x80;
	[sflag:s4] =	ssyncpa.u1 $0x0  }
0xf: {  	[tilespmem:s9], [sflag:$0x2] =	stream.linear.gather [hbm4b:s8+s5], $0x100, $0x38;
	[tilespmem:$0x408] =	vst v63  }
0x10: {  	s23 =	simm.s32 $0x308;
	s6 =	sadd.s32 s7, s6  }
0x11: {  	[tilespmem:s23], [sflag:$0x2] =	stream.linear.gather [hbm4b:s6+s5], $0x100, $0x38;
	[tilespmem:$0x408] =	vst v63  }
0x12: {  	_ =	swait.ge [sflag:s4], $0x200  }
0x13: {  	[sflag:s4] =	ssyncset.done $0x0  }
0x14: {  	[sflag:s4] =	ssyncadd.s32 $0xFFFFFE00  }
0x15: {  	v0 =	vld.msk [tilespmem:s9+$0x0 ss:$0x1], $0xffff;
	_ =	sdelay $0x4  }
0x16: {  	v0 =	vmin.u32 v0, $0x80;
	_ =	sdelay $0x3  }
0x17: {  	vm0 =	vmmov $0xffff;
	s24 =	simm.s32 $0x118  }
0x18: {  	[spmem:s5] =	stream.indirect_vreg.scatter.add.s32 [tilespmem:s23], [sflag:$0x1], $0x1, v0, vm0, $0x4038;
	[tilespmem:$0x408] =	vst v63  }
0x19: {  	v0 =	vld.msk [tilespmem:s24+$0x0 ss:$0x1], $0xffff;
	_ =	sdelay $0x4  }
0x1a: {  	v0 =	vmin.u32 v0, $0x80;
	_ =	sdelay $0x3  }
0x1b: {  	s25 =	simm.s32 $0x318;
	s26 =	simm.s32 $0x128  }
0x1c: {  	[spmem:s5] =	stream.indirect_vreg.scatter.add.s32 [tilespmem:s25], [sflag:$0x1], $0x1, v0, vm0, $0x4038;
	[tilespmem:$0x408] =	vst v63  }
0x1d: {  	v0 =	vld.msk [tilespmem:s26+$0x0 ss:$0x1], $0xffff;
	_ =	sdelay $0x4  }
0x1e: {  	v0 =	vmin.u32 v0, $0x80;
	_ =	sdelay $0x3  }
0x1f: {  	s28 =	simm.s32 $0x328;
	s29 =	simm.s32 $0x138  }
0x20: {  	[spmem:s5] =	stream.indirect_vreg.scatter.add.s32 [tilespmem:s28], [sflag:$0x1], $0x1, v0, vm0, $0x4038;
	[tilespmem:$0x408] =	vst v63  }
0x21: {  	v0 =	vld.msk [tilespmem:s29+$0x0 ss:$0x1], $0xffff;
	_ =	sdelay $0x4  }
0x22: {  	v0 =	vmin.u32 v0, $0x80;
	_ =	sdelay $0x3  }
0x23: {  	s30 =	simm.s32 $0x338;
	s31 =	simm.s32 $0x148  }
0x24: {  	[spmem:s5] =	stream.indirect_vreg.scatter.add.s32 [tilespmem:s30], [sflag:$0x1], $0x1, v0, vm0, $0x4038;
	[tilespmem:$0x408] =	vst v63  }
0x25: {  	v0 =	vld.msk [tilespmem:s31+$0x0 ss:$0x1], $0xffff;
	_ =	sdelay $0x4  }
0x26: {  	v0 =	vmin.u32 v0, $0x80;
	_ =	sdelay $0x3  }
0x27: {  	s7 =	simm.s32 $0x348;
	s8 =	simm.s32 $0x158  }
0x28: {  	[spmem:s5] =	stream.indirect_vreg.scatter.add.s32 [tilespmem:s7], [sflag:$0x1], $0x1, v0, vm0, $0x4038;
	[tilespmem:$0x408] =	vst v63  }
0x29: {  	v0 =	vld.msk [tilespmem:s8+$0x0 ss:$0x1], $0xffff;
	_ =	sdelay $0x4  }
0x2a: {  	v0 =	vmin.u32 v0, $0x80;
	_ =	sdelay $0x3  }
0x2b: {  	s10 =	simm.s32 $0x168;
	s9 =	simm.s32 $0x358  }
0x2c: {  	[spmem:s5] =	stream.indirect_vreg.scatter.add.s32 [tilespmem:s9], [sflag:$0x1], $0x1, v0, vm0, $0x4038;
	[tilespmem:$0x408] =	vst v63  }
0x2d: {  	v0 =	vld.msk [tilespmem:s10+$0x0 ss:$0x1], $0xffff;
	_ =	sdelay $0x4  }
0x2e: {  	v0 =	vmin.u32 v0, $0x80;
	_ =	sdelay $0x3  }
0x2f: {  	s11 =	simm.s32 $0x368;
	s12 =	simm.s32 $0x178  }
0x30: {  	[spmem:s5] =	stream.indirect_vreg.scatter.add.s32 [tilespmem:s11], [sflag:$0x1], $0x1, v0, vm0, $0x4038;
	[tilespmem:$0x408] =	vst v63  }
0x31: {  	v0 =	vld.msk [tilespmem:s12+$0x0 ss:$0x1], $0xffff;
	_ =	sdelay $0x4  }
0x32: {  	v0 =	vmin.u32 v0, $0x80;
	_ =	sdelay $0x3  }
0x33: {  	s13 =	simm.s32 $0x378;
	s14 =	simm.s32 $0x188  }
0x34: {  	[spmem:s5] =	stream.indirect_vreg.scatter.add.s32 [tilespmem:s13], [sflag:$0x1], $0x1, v0, vm0, $0x4038;
	[tilespmem:$0x408] =	vst v63  }
0x35: {  	v0 =	vld.msk [tilespmem:s14+$0x0 ss:$0x1], $0xffff;
	_ =	sdelay $0x4  }
0x36: {  	v0 =	vmin.u32 v0, $0x80;
	_ =	sdelay $0x3  }
0x37: {  	s15 =	simm.s32 $0x388;
	s16 =	simm.s32 $0x198  }
0x38: {  	[spmem:s5] =	stream.indirect_vreg.scatter.add.s32 [tilespmem:s15], [sflag:$0x1], $0x1, v0, vm0, $0x4038;
	[tilespmem:$0x408] =	vst v63  }
0x39: {  	v0 =	vld.msk [tilespmem:s16+$0x0 ss:$0x1], $0xffff;
	_ =	sdelay $0x4  }
0x3a: {  	v0 =	vmin.u32 v0, $0x80;
	_ =	sdelay $0x3  }
0x3b: {  	s17 =	simm.s32 $0x398;
	s18 =	simm.s32 $0x1A8  }
0x3c: {  	[spmem:s5] =	stream.indirect_vreg.scatter.add.s32 [tilespmem:s17], [sflag:$0x1], $0x1, v0, vm0, $0x4038;
	[tilespmem:$0x408] =	vst v63  }
0x3d: {  	v0 =	vld.msk [tilespmem:s18+$0x0 ss:$0x1], $0xffff;
	_ =	sdelay $0x4  }
0x3e: {  	v0 =	vmin.u32 v0, $0x80;
	_ =	sdelay $0x3  }
0x3f: {  	s19 =	simm.s32 $0x3A8;
	s20 =	simm.s32 $0x1B8  }
0x40: {  	[spmem:s5] =	stream.indirect_vreg.scatter.add.s32 [tilespmem:s19], [sflag:$0x1], $0x1, v0, vm0, $0x4038;
	[tilespmem:$0x408] =	vst v63  }
0x41: {  	v0 =	vld.msk [tilespmem:s20+$0x0 ss:$0x1], $0xffff;
	_ =	sdelay $0x4  }
0x42: {  	v0 =	vmin.u32 v0, $0x80;
	_ =	sdelay $0x3  }
0x43: {  	s21 =	simm.s32 $0x3B8;
	s22 =	simm.s32 $0x1C8  }
0x44: {  	[spmem:s5] =	stream.indirect_vreg.scatter.add.s32 [tilespmem:s21], [sflag:$0x1], $0x1, v0, vm0, $0x4038;
	[tilespmem:$0x408] =	vst v63  }
0x45: {  	v0 =	vld.msk [tilespmem:s22+$0x0 ss:$0x1], $0xffff;
	_ =	sdelay $0x4  }
0x46: {  	v0 =	vmin.u32 v0, $0x80;
	_ =	sdelay $0x3  }
0x47: {  	s23 =	simm.s32 $0x3C8;
	s24 =	simm.s32 $0x1D8  }
0x48: {  	[spmem:s5] =	stream.indirect_vreg.scatter.add.s32 [tilespmem:s23], [sflag:$0x1], $0x1, v0, vm0, $0x4038;
	[tilespmem:$0x408] =	vst v63  }
0x49: {  	v0 =	vld.msk [tilespmem:s24+$0x0 ss:$0x1], $0xffff;
	_ =	sdelay $0x4  }
0x4a: {  	v0 =	vmin.u32 v0, $0x80;
	_ =	sdelay $0x3  }
0x4b: {  	s25 =	simm.s32 $0x3D8;
	s26 =	simm.s32 $0x1E8  }
0x4c: {  	[spmem:s5] =	stream.indirect_vreg.scatter.add.s32 [tilespmem:s25], [sflag:$0x1], $0x1, v0, vm0, $0x4038;
	[tilespmem:$0x408] =	vst v63  }
0x4d: {  	v0 =	vld.msk [tilespmem:s26+$0x0 ss:$0x1], $0xffff;
	_ =	sdelay $0x4  }
0x4e: {  	v0 =	vmin.u32 v0, $0x80;
	_ =	sdelay $0x3  }
0x4f: {  	s28 =	simm.s32 $0x3E8;
	s29 =	simm.s32 $0x1F8  }
0x50: {  	[spmem:s5] =	stream.indirect_vreg.scatter.add.s32 [tilespmem:s28], [sflag:$0x1], $0x1, v0, vm0, $0x4038;
	[tilespmem:$0x408] =	vst v63  }
0x51: {  	v0 =	vld.msk [tilespmem:s29+$0x0 ss:$0x1], $0xffff;
	_ =	sdelay $0x4  }
0x52: {  	v0 =	vmin.u32 v0, $0x80;
	_ =	sdelay $0x3  }
0x53: {  	s30 =	simm.s32 $0x3F8  }
0x54: {  	[spmem:s5] =	stream.indirect_vreg.scatter.add.s32 [tilespmem:s30], [sflag:$0x1], $0x1, v0, vm0, $0x4038;
	[tilespmem:$0x408] =	vst v63  }
0x55: {  	_ =	swait.ge [sflag:s3], $0x100  }
0x56: {  	[sflag:s3] =	ssyncset.done $0x0  }
0x57: {  	[sflag:s3] =	ssyncadd.s32 $0xFFFFFF00  }
0x58: {  	_ =	sfence.sel $0x180000  }
0x59: {  	[bflag:$0x0] =	sbarrier.arrive $0xFFFF  }
0x5a: {  	[sflag:s4] =	ssyncpa.u1 $0x1  }
0x5b: {  	[sflag:s3] =	ssyncpa.u1 $0x1  }
0x5c: {  	_ =	sfence.stream.spmem  }
0x5d: {  	s31 =	simm.s32 $0x3D;
	[bflag:$0x0] =	sbarrier.arrive $0xFFFF  }
0x5e: {  	s3 =	simm.s32 @p0 $0x3D;
	[sflag:s31] =	ssyncpa.u1 $0x0  }
0x5f: {  	[sflag:s3] =	ssyncpa.u1 @p0 $0x1  }
0x60: {  	[bflag:$0x0] =	sbarrier.arrive @p0 $0xFFFF  }
0x61: {  	_ =	strace @p0 $0x9000004D  }
0x62: {  	s3 =	simm.s32 @!p0 $0x1C3D;
	[bflag:$0x2] =	sbarrier.arrive @p0 $0xFFFF  }
0x63: {  	[hbm:s1], [sflag:s3] =	dma.local @!p0 [spmem:s2], $0x10  }
0x64: {  	s1 =	simm.s32 @!p0 $0x3D  }
0x65: {  	_ =	swait.ge @!p0 [sflag:s1], $0x10  }
0x66: {  	[sflag:s1] =	ssyncset.done @!p0 $0x0  }
0x67: {  	[sflag:s1] =	ssyncadd.s32 @!p0 $0xFFFFFFF0  }
0x68: {  	[sflag:s1] =	ssyncpa.u1 @!p0 $0x1  }
0x69: {  	[bflag:$0x0] =	sbarrier.arrive @!p0 $0xFFFF  }
0x6a: {  	_ =	strace @!p0 $0x9000004D  }
0x6b: {  	s0 =	sadd.s32 @!p0 $0x100000, s0;
	[bflag:$0x2] =	sbarrier.arrive @!p0 $0xFFFF  }
0x6c: {  	[sflag:s0] =	ssyncadd.tile.s32 @!p0 $0x1;
	_ =	shalt  }
.Lfunc_end2:
_tile_overlayer_lowered:
.L_overlay_start_2:
0x6d: {  	(tag) =	ssettag $0x2  }
0x6e: {  	s0 =	rddreg [dreg:$0x0];
	s2 =	stileid.u32  }
0x6f: {  	s1 =	rddreg [dreg:$0x1];
	p0 =	sne.s32 s2, $0x0  }
0x70: {  	s3 =	rddreg [dreg:$0x2];
	[bflag:$0x3] =	sbarrier.arrive $0xFFFF;
	s2 =	simm.s32 @!p0 $0x1C01  }
0x71: {  	[timem:s3], [sflag:s2] =	dma.local @!p0 [hbm:s0], s1  }
0x72: {  	s0 =	simm.s32 @!p0 $0x1  }
0x73: {  	_ =	swait.ge @!p0 [sflag:s0], s1  }
0x74: {  	s1 =	ssub.s32 @!p0 $0x0, s1;
	[sflag:s0] =	ssyncset.done @!p0 $0x0  }
0x75: {  	[sflag:s0] =	ssyncadd.s32 @!p0 s1  }
0x76: {  	[bflag:$0x3] =	sbarrier.arrive $0xFFFF  }
0x77: {  	_ =	shalt  }

</sc_bundles>
